<compile_context>
chip_gen: v7x
topology: tpu7x:2x2x1
jax: 0.10.2.dev20260603
libtpu: 0.0.44.dev20260713+nightly
codegen_flags: <defaults>
</compile_context>

<pallas_src>
import jax
import jax.numpy as jnp
from jax import lax
from jax.experimental import pallas as pl
from jax.experimental.pallas import tpu as pltpu
from jax.experimental.pallas import tpu_sc as plsc

N_VOX = 50000
PTS = 35
FEAT = 8
LANES = 16

NUM_WORKERS = 32
TILE_VOX = 128
FULL_TILES = N_VOX // TILE_VOX
TAIL_VOX = N_VOX - FULL_TILES * TILE_VOX
K_ITERS = -(-FULL_TILES // NUM_WORKERS)
NBUF = 4
SLOT_ROWS = 40


def _sc_body(
    feat_hbm,
    out_hbm,
    big_v,
    labt_v,
    outc_v,
    in_sem0,
    in_sem1,
    in_sem2,
    in_sem3,
    out_sem0,
    out_sem1,
):
    cid = lax.axis_index("c")
    sid = lax.axis_index("s")
    wid = sid * 2 + cid

    in_sems = (in_sem0, in_sem1, in_sem2, in_sem3)
    out_sems = (out_sem0, out_sem1)

    zeros = jnp.zeros((LANES,), jnp.int32)
    ones = jnp.ones((LANES,), jnp.int32)
    sevens = jnp.full((LANES,), 7, jnp.int32)

    nibbles = jnp.full((LANES,), 0x0F0F0F0F, jnp.int32)

    def histo_group(load_row, store_row, g):
        accs = []
        for blk_start in range(0, PTS, 15):
            blk_end = min(blk_start + 15, PTS)
            acc = zeros
            for p in range(blk_start, blk_end):
                lbl = load_row(p, g).astype(jnp.int32)
                acc = acc + (ones << (lbl << 2))
            accs.append(acc)
        ev = (accs[0] & nibbles) + (accs[1] & nibbles) + (accs[2] & nibbles)
        od = (
            ((accs[0] >> 4) & nibbles)
            + ((accs[1] >> 4) & nibbles)
            + ((accs[2] >> 4) & nibbles)
        )
        best = sevens
        for c in range(1, FEAT):
            src = od if c & 1 else ev
            cnt = (src >> (8 * (c >> 1))) & 255
            best = jnp.maximum(best, (cnt << 3) + (7 - c))
        store_row(g, 7 - (best & 7))

    def tile_of(k):
        return k * NUM_WORKERS + wid

    def for_static(b, n, fn):
        for bs in range(n):
            @pl.when(b == bs)
            def _(bs=bs):
                fn(bs)

    def start_in(k, bs):
        pltpu.async_copy(
            feat_hbm.at[:, 7, pl.ds(tile_of(k) * TILE_VOX, TILE_VOX)],
            big_v.at[pl.ds(bs * SLOT_ROWS, PTS), :],
            in_sems[bs],
        )

    def wait_in(k, bs):
        pltpu.make_async_copy(
            feat_hbm.at[:, 7, pl.ds(tile_of(k) * TILE_VOX, TILE_VOX)],
            big_v.at[pl.ds(bs * SLOT_ROWS, PTS), :],
            in_sems[bs],
        ).wait()

    def start_out(k, bs):
        pltpu.async_copy(
            outc_v.at[bs * 8, :],
            out_hbm.at[pl.ds(tile_of(k) * TILE_VOX, TILE_VOX)],
            out_sems[bs],
        )

    def wait_out(k, bs):
        pltpu.make_async_copy(
            outc_v.at[bs * 8, :],
            out_hbm.at[pl.ds(tile_of(k) * TILE_VOX, TILE_VOX)],
            out_sems[bs],
        ).wait()

    for kp in range(NBUF - 1):
        start_in(kp, kp)

    def round_body(k, carry):
        s = k & (NBUF - 1)
        bo = k & 1

        @pl.when(tile_of(k + NBUF - 1) < FULL_TILES)
        def _():
            for_static(
                (k + NBUF - 1) & (NBUF - 1),
                NBUF,
                lambda bs: start_in(k + NBUF - 1, bs),
            )

        @pl.when(tile_of(k) < FULL_TILES)
        def _():
            for_static(s, NBUF, lambda bs: wait_in(k, bs))

            @pl.when(k >= 2)
            def _():
                for_static(bo, 2, lambda bs: wait_out(k - 2, bs))

            srow = s * SLOT_ROWS
            orow = bo * 8

            def load_row(p, g):
                return big_v[srow + p, pl.ds(g * LANES, LANES)]

            def store_row(g, x):
                outc_v[orow, pl.ds(g * LANES, LANES)] = x

            def group_body(g, c2):
                histo_group(load_row, store_row, g)
                return c2

            lax.fori_loop(0, TILE_VOX // LANES, group_body, 0)
            for_static(bo, 2, lambda bs: start_out(k, bs))

        return carry

    lax.fori_loop(0, K_ITERS, round_body, 0)

    r_final = jnp.where(tile_of(K_ITERS - 1) < FULL_TILES, K_ITERS, K_ITERS - 1)
    for b in range(2):
        kb = r_final - 2 + ((r_final + b) & 1)
        wait_out(kb, b)

    @pl.when(wid == NUM_WORKERS - 1)
    def _():
        vox_base = FULL_TILES * TILE_VOX
        pltpu.sync_copy(feat_hbm.at[:, 7, pl.ds(vox_base, TAIL_VOX)], labt_v)

        def tload_row(p, g):
            return labt_v[p, pl.ds(g * LANES, LANES)]

        def tstore_row(g, x):
            outc_v[0, pl.ds(g * LANES, LANES)] = x

        def tail_group(g, c2):
            histo_group(tload_row, tstore_row, g)
            return c2

        lax.fori_loop(0, TAIL_VOX // LANES, tail_group, 0)
        pltpu.sync_copy(
            outc_v.at[0, pl.ds(0, TAIL_VOX)],
            out_hbm.at[pl.ds(vox_base, TAIL_VOX)],
        )


_sc_call = pl.kernel(
    _sc_body,
    out_type=jax.ShapeDtypeStruct((N_VOX,), jnp.int32),
    mesh=plsc.VectorSubcoreMesh(core_axis_name="c", subcore_axis_name="s"),
    scratch_types=[
        pltpu.VMEM((NBUF * SLOT_ROWS, TILE_VOX), jnp.float32),
        pltpu.VMEM((PTS, TAIL_VOX), jnp.float32),
        pltpu.VMEM((16, TILE_VOX), jnp.int32),
        pltpu.SemaphoreType.DMA,
        pltpu.SemaphoreType.DMA,
        pltpu.SemaphoreType.DMA,
        pltpu.SemaphoreType.DMA,
        pltpu.SemaphoreType.DMA,
        pltpu.SemaphoreType.DMA,
    ],
    compiler_params=pltpu.CompilerParams(
        needs_layout_passes=False, use_tc_tiling_on_sc=True
    ),
)


@jax.jit
def kernel(features):
    t = jnp.transpose(features, (1, 2, 0))
    out = _sc_call(t)
    return out.reshape(-1, 1).astype(jnp.int64)

# --- scband reference (transcript-rebuilt; emitter-appended) ---
"""Pipeline reference for scband-target-89644557402403 (READ-ONLY COPY).

The authoritative reference and input builder live on the scoring server;
editing this copy changes nothing except your own understanding.
"""

import jax, jax.numpy as jnp
import numpy as np

CLASS_NUM = 8  # cfg.demo_dataset.class_num
N_VOXELS = 50000
PTS_PER_VOXEL = 35
FEAT_DIM = 8


def setup_inputs(seed: int = 0) -> dict:
    key = jax.random.key(seed)
    # last channel carries integer class labels in [0, CLASS_NUM)
    features = jax.random.randint(key, (N_VOXELS, PTS_PER_VOXEL, FEAT_DIM), 0, CLASS_NUM).astype(jnp.float32)
    return {"features": features}


def reference(features):
    """For each voxel, count occurrences of classes 1..CLASS_NUM-1 among its points
    (class 0's count is seeded as 0, matching occurance_count = [0]) and return the
    argmax class index per voxel as a LongTensor of shape [-1, 1].
    Ties resolve to the first (lowest) index, matching list.index(max(...))."""
    labels = features[:, :, -1].astype(jnp.int32)                 # [N, P]
    onehot = jax.nn.one_hot(labels, CLASS_NUM, dtype=jnp.float32) # [N, P, C]
    counts = jnp.sum(onehot, axis=1)                              # [N, C]
    counts = counts.at[:, 0].set(0.0)                             # class 0 count forced to 0
    max_class = jnp.argmax(counts, axis=1)                        # first-max tie-break, like list.index
    return max_class.reshape(-1, 1).astype(jnp.int64)

if __name__ == "__main__":
    import jax
    _d = setup_inputs()
    print(jax.jit(kernel)(*tuple(_d.values())))

</pallas_src>

<mosaic_0001>
#map = affine_map<(d0, d1) -> (0, 0, 0)>
#map1 = affine_map<(d0, d1) -> (0)>
module attributes {stable_mosaic.version = 14 : i64} {
  func.func @_sc_body(%arg0: i32, %arg1: i32, %arg2: memref<35x8x50000xf32, #tpu.memory_space<hbm>>, %arg3: memref<50000xi32, #tpu.memory_space<hbm>>, %arg4: memref<160x128xf32, #tpu.memory_space<vmem>>, %arg5: memref<35x80xf32, #tpu.memory_space<vmem>>, %arg6: memref<16x128xi32, #tpu.memory_space<vmem>>, %arg7: memref<!tpu.dma_semaphore, #tpu.memory_space<semaphore_mem>>, %arg8: memref<!tpu.dma_semaphore, #tpu.memory_space<semaphore_mem>>, %arg9: memref<!tpu.dma_semaphore, #tpu.memory_space<semaphore_mem>>, %arg10: memref<!tpu.dma_semaphore, #tpu.memory_space<semaphore_mem>>, %arg11: memref<!tpu.dma_semaphore, #tpu.memory_space<semaphore_mem>>, %arg12: memref<!tpu.dma_semaphore, #tpu.memory_space<semaphore_mem>>) attributes {dimension_semantics = [#tpu.dimension_semantics<core_parallel>, #tpu.dimension_semantics<subcore_parallel>], iteration_bounds = array<i64: 2, 16>, scalar_prefetch = 0 : i64, scratch_operands = 9 : i64, tpu.core_type = #tpu.core_type<sc_vector_subcore>, window_params = [{transform_indices = #map}, {transform_indices = #map1}]} {
    %mul3A = arith.constant 2 : i32
    %mul3A_0 = arith.muli %arg1, %mul3A : i32
    %add3A = arith.addi %mul3A_0, %arg0 : i32
    %broadcast_in_dim3A = arith.constant 0 : i32
    %broadcast_in_dim3A_1 = vector.broadcast %broadcast_in_dim3A : i32 to vector<16xi32>
    %broadcast_in_dim3A_2 = arith.constant 1 : i32
    %broadcast_in_dim3A_3 = vector.broadcast %broadcast_in_dim3A_2 : i32 to vector<16xi32>
    %broadcast_in_dim3A_4 = arith.constant 7 : i32
    %broadcast_in_dim3A_5 = vector.broadcast %broadcast_in_dim3A_4 : i32 to vector<16xi32>
    %broadcast_in_dim3A_6 = arith.constant 252645135 : i32
    %broadcast_in_dim3A_7 = vector.broadcast %broadcast_in_dim3A_6 : i32 to vector<16xi32>
    %add3A_8 = arith.constant 0 : i32
    %add3A_9 = arith.addi %add3A_8, %add3A : i32
    %mul3A_10 = arith.constant 128 : i32
    %mul3A_11 = arith.muli %add3A_9, %mul3A_10 : i32
    %dma_start3A = arith.constant 7 : i32
    %dma_start3A_12 = arith.constant 0 : i32
    %dma_start3A_13 = arith.constant 0 : i32
    %dma_start3A_14 = tpu.memref_slice %arg4[%dma_start3A_12, %dma_start3A_13] : memref<160x128xf32, #tpu.memory_space<vmem>> -> memref<35x128xf32, #tpu.memory_space<vmem>>
    %dma_start3A_15 = arith.constant 0 : i32
    %dma_start3A_16 = tpu.memref_slice %arg2[%dma_start3A_15, %dma_start3A, %mul3A_11] : memref<35x8x50000xf32, #tpu.memory_space<hbm>> -> memref<35x1x128xf32, #tpu.memory_space<hbm>>
    %dma_start3A_17 = tpu.memref_squeeze %dma_start3A_16 : memref<35x1x128xf32, #tpu.memory_space<hbm>> -> memref<35x128xf32, #tpu.memory_space<hbm>>
    %dma_start3A_18 = arith.constant 0 : i32
    %dma_start3A_19 = arith.constant 0 : i32
    %dma_start3A_20 = tpu.memref_slice %arg4[%dma_start3A_18, %dma_start3A_19] : memref<160x128xf32, #tpu.memory_space<vmem>> -> memref<35x128xf32, #tpu.memory_space<vmem>>
    %dma_start3A_21 = arith.constant 0 : i32
    %dma_start3A_22 = tpu.memref_slice %arg2[%dma_start3A_21, %dma_start3A, %mul3A_11] : memref<35x8x50000xf32, #tpu.memory_space<hbm>> -> memref<35x1x128xf32, #tpu.memory_space<hbm>>
    %dma_start3A_23 = tpu.memref_squeeze %dma_start3A_22 : memref<35x1x128xf32, #tpu.memory_space<hbm>> -> memref<35x128xf32, #tpu.memory_space<hbm>>
    tpu.enqueue_dma source(%dma_start3A_23 : memref<35x128xf32, #tpu.memory_space<hbm>>) target(%dma_start3A_20 : memref<35x128xf32, #tpu.memory_space<vmem>>) target_semaphore(%arg7 : memref<!tpu.dma_semaphore, #tpu.memory_space<semaphore_mem>>)
    %add3A_24 = arith.constant 32 : i32
    %add3A_25 = arith.addi %add3A_24, %add3A : i32
    %mul3A_26 = arith.constant 128 : i32
    %mul3A_27 = arith.muli %add3A_25, %mul3A_26 : i32
    %dma_start3A_28 = arith.constant 7 : i32
    %dma_start3A_29 = arith.constant 40 : i32
    %dma_start3A_30 = arith.constant 0 : i32
    %dma_start3A_31 = tpu.memref_slice %arg4[%dma_start3A_29, %dma_start3A_30] : memref<160x128xf32, #tpu.memory_space<vmem>> -> memref<35x128xf32, #tpu.memory_space<vmem>>
    %dma_start3A_32 = arith.constant 0 : i32
    %dma_start3A_33 = tpu.memref_slice %arg2[%dma_start3A_32, %dma_start3A_28, %mul3A_27] : memref<35x8x50000xf32, #tpu.memory_space<hbm>> -> memref<35x1x128xf32, #tpu.memory_space<hbm>>
    %dma_start3A_34 = tpu.memref_squeeze %dma_start3A_33 : memref<35x1x128xf32, #tpu.memory_space<hbm>> -> memref<35x128xf32, #tpu.memory_space<hbm>>
    %dma_start3A_35 = arith.constant 40 : i32
    %dma_start3A_36 = arith.constant 0 : i32
    %dma_start3A_37 = tpu.memref_slice %arg4[%dma_start3A_35, %dma_start3A_36] : memref<160x128xf32, #tpu.memory_space<vmem>> -> memref<35x128xf32, #tpu.memory_space<vmem>>
    %dma_start3A_38 = arith.constant 0 : i32
    %dma_start3A_39 = tpu.memref_slice %arg2[%dma_start3A_38, %dma_start3A_28, %mul3A_27] : memref<35x8x50000xf32, #tpu.memory_space<hbm>> -> memref<35x1x128xf32, #tpu.memory_space<hbm>>
    %dma_start3A_40 = tpu.memref_squeeze %dma_start3A_39 : memref<35x1x128xf32, #tpu.memory_space<hbm>> -> memref<35x128xf32, #tpu.memory_space<hbm>>
    tpu.enqueue_dma source(%dma_start3A_40 : memref<35x128xf32, #tpu.memory_space<hbm>>) target(%dma_start3A_37 : memref<35x128xf32, #tpu.memory_space<vmem>>) target_semaphore(%arg8 : memref<!tpu.dma_semaphore, #tpu.memory_space<semaphore_mem>>)
    %add3A_41 = arith.constant 64 : i32
    %add3A_42 = arith.addi %add3A_41, %add3A : i32
    %mul3A_43 = arith.constant 128 : i32
    %mul3A_44 = arith.muli %add3A_42, %mul3A_43 : i32
    %dma_start3A_45 = arith.constant 7 : i32
    %dma_start3A_46 = arith.constant 80 : i32
    %dma_start3A_47 = arith.constant 0 : i32
    %dma_start3A_48 = tpu.memref_slice %arg4[%dma_start3A_46, %dma_start3A_47] : memref<160x128xf32, #tpu.memory_space<vmem>> -> memref<35x128xf32, #tpu.memory_space<vmem>>
    %dma_start3A_49 = arith.constant 0 : i32
    %dma_start3A_50 = tpu.memref_slice %arg2[%dma_start3A_49, %dma_start3A_45, %mul3A_44] : memref<35x8x50000xf32, #tpu.memory_space<hbm>> -> memref<35x1x128xf32, #tpu.memory_space<hbm>>
    %dma_start3A_51 = tpu.memref_squeeze %dma_start3A_50 : memref<35x1x128xf32, #tpu.memory_space<hbm>> -> memref<35x128xf32, #tpu.memory_space<hbm>>
    %dma_start3A_52 = arith.constant 80 : i32
    %dma_start3A_53 = arith.constant 0 : i32
    %dma_start3A_54 = tpu.memref_slice %arg4[%dma_start3A_52, %dma_start3A_53] : memref<160x128xf32, #tpu.memory_space<vmem>> -> memref<35x128xf32, #tpu.memory_space<vmem>>
    %dma_start3A_55 = arith.constant 0 : i32
    %dma_start3A_56 = tpu.memref_slice %arg2[%dma_start3A_55, %dma_start3A_45, %mul3A_44] : memref<35x8x50000xf32, #tpu.memory_space<hbm>> -> memref<35x1x128xf32, #tpu.memory_space<hbm>>
    %dma_start3A_57 = tpu.memref_squeeze %dma_start3A_56 : memref<35x1x128xf32, #tpu.memory_space<hbm>> -> memref<35x128xf32, #tpu.memory_space<hbm>>
    tpu.enqueue_dma source(%dma_start3A_57 : memref<35x128xf32, #tpu.memory_space<hbm>>) target(%dma_start3A_54 : memref<35x128xf32, #tpu.memory_space<vmem>>) target_semaphore(%arg9 : memref<!tpu.dma_semaphore, #tpu.memory_space<semaphore_mem>>)
    %scan3A = arith.constant 0 : i32
    %scan3A_58 = arith.constant 0 : i32
    %scan3A_59 = arith.constant 13 : i32
    %scan3A_60 = arith.addi %scan3A_58, %scan3A_59 : i32
    %scan3A_61 = arith.constant 1 : i32
    scf.for %scan3A_108 = %scan3A_58 to %scan3A_60 step %scan3A_61  : i32 {
      %and3A_109 = arith.constant 3 : i32
      %and3A_110 = arith.andi %scan3A_108, %and3A_109 : i32
      %and3A_111 = arith.constant 1 : i32
      %and3A_112 = arith.andi %scan3A_108, %and3A_111 : i32
      %add3A_113 = arith.constant 4 : i32
      %add3A_114 = arith.addi %scan3A_108, %add3A_113 : i32
      %sub3A_115 = arith.constant 1 : i32
      %sub3A_116 = arith.subi %add3A_114, %sub3A_115 : i32
      %mul3A_117 = arith.constant 32 : i32
      %mul3A_118 = arith.muli %sub3A_116, %mul3A_117 : i32
      %add3A_119 = arith.addi %mul3A_118, %add3A : i32
      %lt3A_120 = arith.constant 390 : i32
      %lt3A_121 = arith.cmpi slt, %add3A_119, %lt3A_120 : i32
      %convert_element_type3A_122 = arith.extui %lt3A_121 : i1 to i32
      %cond3A_123 = arith.constant 0 : i32
      %cond3A_124 = arith.cmpi ne, %convert_element_type3A_122, %cond3A_123 : i32
      scf.if %cond3A_124 {
        %add3A_133 = arith.constant 4 : i32
        %add3A_134 = arith.addi %scan3A_108, %add3A_133 : i32
        %sub3A_135 = arith.constant 1 : i32
        %sub3A_136 = arith.subi %add3A_134, %sub3A_135 : i32
        %and3A_137 = arith.constant 3 : i32
        %and3A_138 = arith.andi %sub3A_136, %and3A_137 : i32
        %eq3A_139 = arith.constant 0 : i32
        %eq3A_140 = arith.cmpi eq, %and3A_138, %eq3A_139 : i32
        %convert_element_type3A_141 = arith.extui %eq3A_140 : i1 to i32
        %cond3A_142 = arith.constant 0 : i32
        %cond3A_143 = arith.cmpi ne, %convert_element_type3A_141, %cond3A_142 : i32
        scf.if %cond3A_143 {
          %add3A_159 = arith.constant 4 : i32
          %add3A_160 = arith.addi %scan3A_108, %add3A_159 : i32
          %sub3A_161 = arith.constant 1 : i32
          %sub3A_162 = arith.subi %add3A_160, %sub3A_161 : i32
          %mul3A_163 = arith.constant 32 : i32
          %mul3A_164 = arith.muli %sub3A_162, %mul3A_163 : i32
          %add3A_165 = arith.addi %mul3A_164, %add3A : i32
          %mul3A_166 = arith.constant 128 : i32
          %mul3A_167 = arith.muli %add3A_165, %mul3A_166 : i32
          %dma_start3A_168 = arith.constant 7 : i32
          %dma_start3A_169 = arith.constant 0 : i32
          %dma_start3A_170 = arith.constant 0 : i32
          %dma_start3A_171 = tpu.memref_slice %arg4[%dma_start3A_169, %dma_start3A_170] : memref<160x128xf32, #tpu.memory_space<vmem>> -> memref<35x128xf32, #tpu.memory_space<vmem>>
          %dma_start3A_172 = arith.constant 0 : i32
          %dma_start3A_173 = tpu.memref_slice %arg2[%dma_start3A_172, %dma_start3A_168, %mul3A_167] : memref<35x8x50000xf32, #tpu.memory_space<hbm>> -> memref<35x1x128xf32, #tpu.memory_space<hbm>>
          %dma_start3A_174 = tpu.memref_squeeze %dma_start3A_173 : memref<35x1x128xf32, #tpu.memory_space<hbm>> -> memref<35x128xf32, #tpu.memory_space<hbm>>
          %dma_start3A_175 = arith.constant 0 : i32
          %dma_start3A_176 = arith.constant 0 : i32
          %dma_start3A_177 = tpu.memref_slice %arg4[%dma_start3A_175, %dma_start3A_176] : memref<160x128xf32, #tpu.memory_space<vmem>> -> memref<35x128xf32, #tpu.memory_space<vmem>>
          %dma_start3A_178 = arith.constant 0 : i32
          %dma_start3A_179 = tpu.memref_slice %arg2[%dma_start3A_178, %dma_start3A_168, %mul3A_167] : memref<35x8x50000xf32, #tpu.memory_space<hbm>> -> memref<35x1x128xf32, #tpu.memory_space<hbm>>
          %dma_start3A_180 = tpu.memref_squeeze %dma_start3A_179 : memref<35x1x128xf32, #tpu.memory_space<hbm>> -> memref<35x128xf32, #tpu.memory_space<hbm>>
          tpu.enqueue_dma source(%dma_start3A_180 : memref<35x128xf32, #tpu.memory_space<hbm>>) target(%dma_start3A_177 : memref<35x128xf32, #tpu.memory_space<vmem>>) target_semaphore(%arg7 : memref<!tpu.dma_semaphore, #tpu.memory_space<semaphore_mem>>)
        } else {
        }
        %eq3A_144 = arith.constant 1 : i32
        %eq3A_145 = arith.cmpi eq, %and3A_138, %eq3A_144 : i32
        %convert_element_type3A_146 = arith.extui %eq3A_145 : i1 to i32
        %cond3A_147 = arith.constant 0 : i32
        %cond3A_148 = arith.cmpi ne, %convert_element_type3A_146, %cond3A_147 : i32
        scf.if %cond3A_148 {
          %add3A_159 = arith.constant 4 : i32
          %add3A_160 = arith.addi %scan3A_108, %add3A_159 : i32
          %sub3A_161 = arith.constant 1 : i32
          %sub3A_162 = arith.subi %add3A_160, %sub3A_161 : i32
          %mul3A_163 = arith.constant 32 : i32
          %mul3A_164 = arith.muli %sub3A_162, %mul3A_163 : i32
          %add3A_165 = arith.addi %mul3A_164, %add3A : i32
          %mul3A_166 = arith.constant 128 : i32
          %mul3A_167 = arith.muli %add3A_165, %mul3A_166 : i32
          %dma_start3A_168 = arith.constant 7 : i32
          %dma_start3A_169 = arith.constant 40 : i32
          %dma_start3A_170 = arith.constant 0 : i32
          %dma_start3A_171 = tpu.memref_slice %arg4[%dma_start3A_169, %dma_start3A_170] : memref<160x128xf32, #tpu.memory_space<vmem>> -> memref<35x128xf32, #tpu.memory_space<vmem>>
          %dma_start3A_172 = arith.constant 0 : i32
          %dma_start3A_173 = tpu.memref_slice %arg2[%dma_start3A_172, %dma_start3A_168, %mul3A_167] : memref<35x8x50000xf32, #tpu.memory_space<hbm>> -> memref<35x1x128xf32, #tpu.memory_space<hbm>>
          %dma_start3A_174 = tpu.memref_squeeze %dma_start3A_173 : memref<35x1x128xf32, #tpu.memory_space<hbm>> -> memref<35x128xf32, #tpu.memory_space<hbm>>
          %dma_start3A_175 = arith.constant 40 : i32
          %dma_start3A_176 = arith.constant 0 : i32
          %dma_start3A_177 = tpu.memref_slice %arg4[%dma_start3A_175, %dma_start3A_176] : memref<160x128xf32, #tpu.memory_space<vmem>> -> memref<35x128xf32, #tpu.memory_space<vmem>>
          %dma_start3A_178 = arith.constant 0 : i32
          %dma_start3A_179 = tpu.memref_slice %arg2[%dma_start3A_178, %dma_start3A_168, %mul3A_167] : memref<35x8x50000xf32, #tpu.memory_space<hbm>> -> memref<35x1x128xf32, #tpu.memory_space<hbm>>
          %dma_start3A_180 = tpu.memref_squeeze %dma_start3A_179 : memref<35x1x128xf32, #tpu.memory_space<hbm>> -> memref<35x128xf32, #tpu.memory_space<hbm>>
          tpu.enqueue_dma source(%dma_start3A_180 : memref<35x128xf32, #tpu.memory_space<hbm>>) target(%dma_start3A_177 : memref<35x128xf32, #tpu.memory_space<vmem>>) target_semaphore(%arg8 : memref<!tpu.dma_semaphore, #tpu.memory_space<semaphore_mem>>)
        } else {
        }
        %eq3A_149 = arith.constant 2 : i32
        %eq3A_150 = arith.cmpi eq, %and3A_138, %eq3A_149 : i32
        %convert_element_type3A_151 = arith.extui %eq3A_150 : i1 to i32
        %cond3A_152 = arith.constant 0 : i32
        %cond3A_153 = arith.cmpi ne, %convert_element_type3A_151, %cond3A_152 : i32
        scf.if %cond3A_153 {
          %add3A_159 = arith.constant 4 : i32
          %add3A_160 = arith.addi %scan3A_108, %add3A_159 : i32
          %sub3A_161 = arith.constant 1 : i32
          %sub3A_162 = arith.subi %add3A_160, %sub3A_161 : i32
          %mul3A_163 = arith.constant 32 : i32
          %mul3A_164 = arith.muli %sub3A_162, %mul3A_163 : i32
          %add3A_165 = arith.addi %mul3A_164, %add3A : i32
          %mul3A_166 = arith.constant 128 : i32
          %mul3A_167 = arith.muli %add3A_165, %mul3A_166 : i32
          %dma_start3A_168 = arith.constant 7 : i32
          %dma_start3A_169 = arith.constant 80 : i32
          %dma_start3A_170 = arith.constant 0 : i32
          %dma_start3A_171 = tpu.memref_slice %arg4[%dma_start3A_169, %dma_start3A_170] : memref<160x128xf32, #tpu.memory_space<vmem>> -> memref<35x128xf32, #tpu.memory_space<vmem>>
          %dma_start3A_172 = arith.constant 0 : i32
          %dma_start3A_173 = tpu.memref_slice %arg2[%dma_start3A_172, %dma_start3A_168, %mul3A_167] : memref<35x8x50000xf32, #tpu.memory_space<hbm>> -> memref<35x1x128xf32, #tpu.memory_space<hbm>>
          %dma_start3A_174 = tpu.memref_squeeze %dma_start3A_173 : memref<35x1x128xf32, #tpu.memory_space<hbm>> -> memref<35x128xf32, #tpu.memory_space<hbm>>
          %dma_start3A_175 = arith.constant 80 : i32
          %dma_start3A_176 = arith.constant 0 : i32
          %dma_start3A_177 = tpu.memref_slice %arg4[%dma_start3A_175, %dma_start3A_176] : memref<160x128xf32, #tpu.memory_space<vmem>> -> memref<35x128xf32, #tpu.memory_space<vmem>>
          %dma_start3A_178 = arith.constant 0 : i32
          %dma_start3A_179 = tpu.memref_slice %arg2[%dma_start3A_178, %dma_start3A_168, %mul3A_167] : memref<35x8x50000xf32, #tpu.memory_space<hbm>> -> memref<35x1x128xf32, #tpu.memory_space<hbm>>
          %dma_start3A_180 = tpu.memref_squeeze %dma_start3A_179 : memref<35x1x128xf32, #tpu.memory_space<hbm>> -> memref<35x128xf32, #tpu.memory_space<hbm>>
          tpu.enqueue_dma source(%dma_start3A_180 : memref<35x128xf32, #tpu.memory_space<hbm>>) target(%dma_start3A_177 : memref<35x128xf32, #tpu.memory_space<vmem>>) target_semaphore(%arg9 : memref<!tpu.dma_semaphore, #tpu.memory_space<semaphore_mem>>)
        } else {
        }
        %eq3A_154 = arith.constant 3 : i32
        %eq3A_155 = arith.cmpi eq, %and3A_138, %eq3A_154 : i32
        %convert_element_type3A_156 = arith.extui %eq3A_155 : i1 to i32
        %cond3A_157 = arith.constant 0 : i32
        %cond3A_158 = arith.cmpi ne, %convert_element_type3A_156, %cond3A_157 : i32
        scf.if %cond3A_158 {
          %add3A_159 = arith.constant 4 : i32
          %add3A_160 = arith.addi %scan3A_108, %add3A_159 : i32
          %sub3A_161 = arith.constant 1 : i32
          %sub3A_162 = arith.subi %add3A_160, %sub3A_161 : i32
          %mul3A_163 = arith.constant 32 : i32
          %mul3A_164 = arith.muli %sub3A_162, %mul3A_163 : i32
          %add3A_165 = arith.addi %mul3A_164, %add3A : i32
          %mul3A_166 = arith.constant 128 : i32
          %mul3A_167 = arith.muli %add3A_165, %mul3A_166 : i32
          %dma_start3A_168 = arith.constant 7 : i32
          %dma_start3A_169 = arith.constant 120 : i32
          %dma_start3A_170 = arith.constant 0 : i32
          %dma_start3A_171 = tpu.memref_slice %arg4[%dma_start3A_169, %dma_start3A_170] : memref<160x128xf32, #tpu.memory_space<vmem>> -> memref<35x128xf32, #tpu.memory_space<vmem>>
          %dma_start3A_172 = arith.constant 0 : i32
          %dma_start3A_173 = tpu.memref_slice %arg2[%dma_start3A_172, %dma_start3A_168, %mul3A_167] : memref<35x8x50000xf32, #tpu.memory_space<hbm>> -> memref<35x1x128xf32, #tpu.memory_space<hbm>>
          %dma_start3A_174 = tpu.memref_squeeze %dma_start3A_173 : memref<35x1x128xf32, #tpu.memory_space<hbm>> -> memref<35x128xf32, #tpu.memory_space<hbm>>
          %dma_start3A_175 = arith.constant 120 : i32
          %dma_start3A_176 = arith.constant 0 : i32
          %dma_start3A_177 = tpu.memref_slice %arg4[%dma_start3A_175, %dma_start3A_176] : memref<160x128xf32, #tpu.memory_space<vmem>> -> memref<35x128xf32, #tpu.memory_space<vmem>>
          %dma_start3A_178 = arith.constant 0 : i32
          %dma_start3A_179 = tpu.memref_slice %arg2[%dma_start3A_178, %dma_start3A_168, %mul3A_167] : memref<35x8x50000xf32, #tpu.memory_space<hbm>> -> memref<35x1x128xf32, #tpu.memory_space<hbm>>
          %dma_start3A_180 = tpu.memref_squeeze %dma_start3A_179 : memref<35x1x128xf32, #tpu.memory_space<hbm>> -> memref<35x128xf32, #tpu.memory_space<hbm>>
          tpu.enqueue_dma source(%dma_start3A_180 : memref<35x128xf32, #tpu.memory_space<hbm>>) target(%dma_start3A_177 : memref<35x128xf32, #tpu.memory_space<vmem>>) target_semaphore(%arg10 : memref<!tpu.dma_semaphore, #tpu.memory_space<semaphore_mem>>)
        } else {
        }
      } else {
      }
      %mul3A_125 = arith.constant 32 : i32
      %mul3A_126 = arith.muli %scan3A_108, %mul3A_125 : i32
      %add3A_127 = arith.addi %mul3A_126, %add3A : i32
      %lt3A_128 = arith.constant 390 : i32
      %lt3A_129 = arith.cmpi slt, %add3A_127, %lt3A_128 : i32
      %convert_element_type3A_130 = arith.extui %lt3A_129 : i1 to i32
      %cond3A_131 = arith.constant 0 : i32
      %cond3A_132 = arith.cmpi ne, %convert_element_type3A_130, %cond3A_131 : i32
      scf.if %cond3A_132 {
        %eq3A_133 = arith.constant 0 : i32
        %eq3A_134 = arith.cmpi eq, %and3A_110, %eq3A_133 : i32
        %convert_element_type3A_135 = arith.extui %eq3A_134 : i1 to i32
        %cond3A_136 = arith.constant 0 : i32
        %cond3A_137 = arith.cmpi ne, %convert_element_type3A_135, %cond3A_136 : i32
        scf.if %cond3A_137 {
          %mul3A_177 = arith.constant 32 : i32
          %mul3A_178 = arith.muli %scan3A_108, %mul3A_177 : i32
          %add3A_179 = arith.addi %mul3A_178, %add3A : i32
          %mul3A_180 = arith.constant 128 : i32
          %mul3A_181 = arith.muli %add3A_179, %mul3A_180 : i32
          %dma_wait3A_182 = arith.constant 7 : i32
          %dma_wait3A_183 = arith.constant 0 : i32
          %dma_wait3A_184 = arith.constant 0 : i32
          %dma_wait3A_185 = tpu.memref_slice %arg4[%dma_wait3A_183, %dma_wait3A_184] : memref<160x128xf32, #tpu.memory_space<vmem>> -> memref<35x128xf32, #tpu.memory_space<vmem>>
          %dma_wait3A_186 = arith.constant 0 : i32
          %dma_wait3A_187 = tpu.memref_slice %arg2[%dma_wait3A_186, %dma_wait3A_182, %mul3A_181] : memref<35x8x50000xf32, #tpu.memory_space<hbm>> -> memref<35x1x128xf32, #tpu.memory_space<hbm>>
          %dma_wait3A_188 = tpu.memref_squeeze %dma_wait3A_187 : memref<35x1x128xf32, #tpu.memory_space<hbm>> -> memref<35x128xf32, #tpu.memory_space<hbm>>
          %dma_wait3A_189 = arith.constant 0 : i32
          %dma_wait3A_190 = arith.constant 0 : i32
          %dma_wait3A_191 = tpu.memref_slice %arg4[%dma_wait3A_189, %dma_wait3A_190] : memref<160x128xf32, #tpu.memory_space<vmem>> -> memref<35x128xf32, #tpu.memory_space<vmem>>
          %dma_wait3A_192 = arith.constant 0 : i32
          %dma_wait3A_193 = tpu.memref_slice %arg2[%dma_wait3A_192, %dma_wait3A_182, %mul3A_181] : memref<35x8x50000xf32, #tpu.memory_space<hbm>> -> memref<35x1x128xf32, #tpu.memory_space<hbm>>
          %dma_wait3A_194 = tpu.memref_squeeze %dma_wait3A_193 : memref<35x1x128xf32, #tpu.memory_space<hbm>> -> memref<35x128xf32, #tpu.memory_space<hbm>>
          tpu.wait_dma2 semaphore(%arg7 : memref<!tpu.dma_semaphore, #tpu.memory_space<semaphore_mem>>) src(%dma_wait3A_194 : memref<35x128xf32, #tpu.memory_space<hbm>>) dst(%dma_wait3A_191 : memref<35x128xf32, #tpu.memory_space<vmem>>)
        } else {
        }
        %eq3A_138 = arith.constant 1 : i32
        %eq3A_139 = arith.cmpi eq, %and3A_110, %eq3A_138 : i32
        %convert_element_type3A_140 = arith.extui %eq3A_139 : i1 to i32
        %cond3A_141 = arith.constant 0 : i32
        %cond3A_142 = arith.cmpi ne, %convert_element_type3A_140, %cond3A_141 : i32
        scf.if %cond3A_142 {
          %mul3A_177 = arith.constant 32 : i32
          %mul3A_178 = arith.muli %scan3A_108, %mul3A_177 : i32
          %add3A_179 = arith.addi %mul3A_178, %add3A : i32
          %mul3A_180 = arith.constant 128 : i32
          %mul3A_181 = arith.muli %add3A_179, %mul3A_180 : i32
          %dma_wait3A_182 = arith.constant 7 : i32
          %dma_wait3A_183 = arith.constant 40 : i32
          %dma_wait3A_184 = arith.constant 0 : i32
          %dma_wait3A_185 = tpu.memref_slice %arg4[%dma_wait3A_183, %dma_wait3A_184] : memref<160x128xf32, #tpu.memory_space<vmem>> -> memref<35x128xf32, #tpu.memory_space<vmem>>
          %dma_wait3A_186 = arith.constant 0 : i32
          %dma_wait3A_187 = tpu.memref_slice %arg2[%dma_wait3A_186, %dma_wait3A_182, %mul3A_181] : memref<35x8x50000xf32, #tpu.memory_space<hbm>> -> memref<35x1x128xf32, #tpu.memory_space<hbm>>
          %dma_wait3A_188 = tpu.memref_squeeze %dma_wait3A_187 : memref<35x1x128xf32, #tpu.memory_space<hbm>> -> memref<35x128xf32, #tpu.memory_space<hbm>>
          %dma_wait3A_189 = arith.constant 40 : i32
          %dma_wait3A_190 = arith.constant 0 : i32
          %dma_wait3A_191 = tpu.memref_slice %arg4[%dma_wait3A_189, %dma_wait3A_190] : memref<160x128xf32, #tpu.memory_space<vmem>> -> memref<35x128xf32, #tpu.memory_space<vmem>>
          %dma_wait3A_192 = arith.constant 0 : i32
          %dma_wait3A_193 = tpu.memref_slice %arg2[%dma_wait3A_192, %dma_wait3A_182, %mul3A_181] : memref<35x8x50000xf32, #tpu.memory_space<hbm>> -> memref<35x1x128xf32, #tpu.memory_space<hbm>>
          %dma_wait3A_194 = tpu.memref_squeeze %dma_wait3A_193 : memref<35x1x128xf32, #tpu.memory_space<hbm>> -> memref<35x128xf32, #tpu.memory_space<hbm>>
          tpu.wait_dma2 semaphore(%arg8 : memref<!tpu.dma_semaphore, #tpu.memory_space<semaphore_mem>>) src(%dma_wait3A_194 : memref<35x128xf32, #tpu.memory_space<hbm>>) dst(%dma_wait3A_191 : memref<35x128xf32, #tpu.memory_space<vmem>>)
        } else {
        }
        %eq3A_143 = arith.constant 2 : i32
        %eq3A_144 = arith.cmpi eq, %and3A_110, %eq3A_143 : i32
        %convert_element_type3A_145 = arith.extui %eq3A_144 : i1 to i32
        %cond3A_146 = arith.constant 0 : i32
        %cond3A_147 = arith.cmpi ne, %convert_element_type3A_145, %cond3A_146 : i32
        scf.if %cond3A_147 {
          %mul3A_177 = arith.constant 32 : i32
          %mul3A_178 = arith.muli %scan3A_108, %mul3A_177 : i32
          %add3A_179 = arith.addi %mul3A_178, %add3A : i32
          %mul3A_180 = arith.constant 128 : i32
          %mul3A_181 = arith.muli %add3A_179, %mul3A_180 : i32
          %dma_wait3A_182 = arith.constant 7 : i32
          %dma_wait3A_183 = arith.constant 80 : i32
          %dma_wait3A_184 = arith.constant 0 : i32
          %dma_wait3A_185 = tpu.memref_slice %arg4[%dma_wait3A_183, %dma_wait3A_184] : memref<160x128xf32, #tpu.memory_space<vmem>> -> memref<35x128xf32, #tpu.memory_space<vmem>>
          %dma_wait3A_186 = arith.constant 0 : i32
          %dma_wait3A_187 = tpu.memref_slice %arg2[%dma_wait3A_186, %dma_wait3A_182, %mul3A_181] : memref<35x8x50000xf32, #tpu.memory_space<hbm>> -> memref<35x1x128xf32, #tpu.memory_space<hbm>>
          %dma_wait3A_188 = tpu.memref_squeeze %dma_wait3A_187 : memref<35x1x128xf32, #tpu.memory_space<hbm>> -> memref<35x128xf32, #tpu.memory_space<hbm>>
          %dma_wait3A_189 = arith.constant 80 : i32
          %dma_wait3A_190 = arith.constant 0 : i32
          %dma_wait3A_191 = tpu.memref_slice %arg4[%dma_wait3A_189, %dma_wait3A_190] : memref<160x128xf32, #tpu.memory_space<vmem>> -> memref<35x128xf32, #tpu.memory_space<vmem>>
          %dma_wait3A_192 = arith.constant 0 : i32
          %dma_wait3A_193 = tpu.memref_slice %arg2[%dma_wait3A_192, %dma_wait3A_182, %mul3A_181] : memref<35x8x50000xf32, #tpu.memory_space<hbm>> -> memref<35x1x128xf32, #tpu.memory_space<hbm>>
          %dma_wait3A_194 = tpu.memref_squeeze %dma_wait3A_193 : memref<35x1x128xf32, #tpu.memory_space<hbm>> -> memref<35x128xf32, #tpu.memory_space<hbm>>
          tpu.wait_dma2 semaphore(%arg9 : memref<!tpu.dma_semaphore, #tpu.memory_space<semaphore_mem>>) src(%dma_wait3A_194 : memref<35x128xf32, #tpu.memory_space<hbm>>) dst(%dma_wait3A_191 : memref<35x128xf32, #tpu.memory_space<vmem>>)
        } else {
        }
        %eq3A_148 = arith.constant 3 : i32
        %eq3A_149 = arith.cmpi eq, %and3A_110, %eq3A_148 : i32
        %convert_element_type3A_150 = arith.extui %eq3A_149 : i1 to i32
        %cond3A_151 = arith.constant 0 : i32
        %cond3A_152 = arith.cmpi ne, %convert_element_type3A_150, %cond3A_151 : i32
        scf.if %cond3A_152 {
          %mul3A_177 = arith.constant 32 : i32
          %mul3A_178 = arith.muli %scan3A_108, %mul3A_177 : i32
          %add3A_179 = arith.addi %mul3A_178, %add3A : i32
          %mul3A_180 = arith.constant 128 : i32
          %mul3A_181 = arith.muli %add3A_179, %mul3A_180 : i32
          %dma_wait3A_182 = arith.constant 7 : i32
          %dma_wait3A_183 = arith.constant 120 : i32
          %dma_wait3A_184 = arith.constant 0 : i32
          %dma_wait3A_185 = tpu.memref_slice %arg4[%dma_wait3A_183, %dma_wait3A_184] : memref<160x128xf32, #tpu.memory_space<vmem>> -> memref<35x128xf32, #tpu.memory_space<vmem>>
          %dma_wait3A_186 = arith.constant 0 : i32
          %dma_wait3A_187 = tpu.memref_slice %arg2[%dma_wait3A_186, %dma_wait3A_182, %mul3A_181] : memref<35x8x50000xf32, #tpu.memory_space<hbm>> -> memref<35x1x128xf32, #tpu.memory_space<hbm>>
          %dma_wait3A_188 = tpu.memref_squeeze %dma_wait3A_187 : memref<35x1x128xf32, #tpu.memory_space<hbm>> -> memref<35x128xf32, #tpu.memory_space<hbm>>
          %dma_wait3A_189 = arith.constant 120 : i32
          %dma_wait3A_190 = arith.constant 0 : i32
          %dma_wait3A_191 = tpu.memref_slice %arg4[%dma_wait3A_189, %dma_wait3A_190] : memref<160x128xf32, #tpu.memory_space<vmem>> -> memref<35x128xf32, #tpu.memory_space<vmem>>
          %dma_wait3A_192 = arith.constant 0 : i32
          %dma_wait3A_193 = tpu.memref_slice %arg2[%dma_wait3A_192, %dma_wait3A_182, %mul3A_181] : memref<35x8x50000xf32, #tpu.memory_space<hbm>> -> memref<35x1x128xf32, #tpu.memory_space<hbm>>
          %dma_wait3A_194 = tpu.memref_squeeze %dma_wait3A_193 : memref<35x1x128xf32, #tpu.memory_space<hbm>> -> memref<35x128xf32, #tpu.memory_space<hbm>>
          tpu.wait_dma2 semaphore(%arg10 : memref<!tpu.dma_semaphore, #tpu.memory_space<semaphore_mem>>) src(%dma_wait3A_194 : memref<35x128xf32, #tpu.memory_space<hbm>>) dst(%dma_wait3A_191 : memref<35x128xf32, #tpu.memory_space<vmem>>)
        } else {
        }
        %ge3A = arith.constant 2 : i32
        %ge3A_153 = arith.cmpi sge, %scan3A_108, %ge3A : i32
        %convert_element_type3A_154 = arith.extui %ge3A_153 : i1 to i32
        %cond3A_155 = arith.constant 0 : i32
        %cond3A_156 = arith.cmpi ne, %convert_element_type3A_154, %cond3A_155 : i32
        scf.if %cond3A_156 {
          %eq3A_177 = arith.constant 0 : i32
          %eq3A_178 = arith.cmpi eq, %and3A_112, %eq3A_177 : i32
          %convert_element_type3A_179 = arith.extui %eq3A_178 : i1 to i32
          %cond3A_180 = arith.constant 0 : i32
          %cond3A_181 = arith.cmpi ne, %convert_element_type3A_179, %cond3A_180 : i32
          scf.if %cond3A_181 {
            %sub3A_187 = arith.constant 2 : i32
            %sub3A_188 = arith.subi %scan3A_108, %sub3A_187 : i32
            %mul3A_189 = arith.constant 32 : i32
            %mul3A_190 = arith.muli %sub3A_188, %mul3A_189 : i32
            %add3A_191 = arith.addi %mul3A_190, %add3A : i32
            %mul3A_192 = arith.constant 128 : i32
            %mul3A_193 = arith.muli %add3A_191, %mul3A_192 : i32
            %dma_wait3A_194 = arith.constant 0 : i32
            %dma_wait3A_195 = arith.constant 0 : i32
            %dma_wait3A_196 = tpu.memref_slice %arg6[%dma_wait3A_194, %dma_wait3A_195] : memref<16x128xi32, #tpu.memory_space<vmem>> -> memref<1x128xi32, #tpu.memory_space<vmem>>
            %dma_wait3A_197 = tpu.memref_squeeze %dma_wait3A_196 : memref<1x128xi32, #tpu.memory_space<vmem>> -> memref<128xi32, #tpu.memory_space<vmem>>
            %dma_wait3A_198 = tpu.memref_slice %arg3[%mul3A_193] : memref<50000xi32, #tpu.memory_space<hbm>> -> memref<128xi32, #tpu.memory_space<hbm>>
            %dma_wait3A_199 = tpu.memref_slice %arg3[%mul3A_193] : memref<50000xi32, #tpu.memory_space<hbm>> -> memref<128xi32, #tpu.memory_space<hbm>>
            %dma_wait3A_200 = arith.constant 0 : i32
            %dma_wait3A_201 = tpu.memref_slice %arg6[%dma_wait3A_194, %dma_wait3A_200] : memref<16x128xi32, #tpu.memory_space<vmem>> -> memref<1x128xi32, #tpu.memory_space<vmem>>
            %dma_wait3A_202 = tpu.memref_squeeze %dma_wait3A_201 : memref<1x128xi32, #tpu.memory_space<vmem>> -> memref<128xi32, #tpu.memory_space<vmem>>
            tpu.wait_dma2 semaphore(%arg11 : memref<!tpu.dma_semaphore, #tpu.memory_space<semaphore_mem>>) src(%dma_wait3A_202 : memref<128xi32, #tpu.memory_space<vmem>>) dst(%dma_wait3A_199 : memref<128xi32, #tpu.memory_space<hbm>>)
          } else {
          }
          %eq3A_182 = arith.constant 1 : i32
          %eq3A_183 = arith.cmpi eq, %and3A_112, %eq3A_182 : i32
          %convert_element_type3A_184 = arith.extui %eq3A_183 : i1 to i32
          %cond3A_185 = arith.constant 0 : i32
          %cond3A_186 = arith.cmpi ne, %convert_element_type3A_184, %cond3A_185 : i32
          scf.if %cond3A_186 {
            %sub3A_187 = arith.constant 2 : i32
            %sub3A_188 = arith.subi %scan3A_108, %sub3A_187 : i32
            %mul3A_189 = arith.constant 32 : i32
            %mul3A_190 = arith.muli %sub3A_188, %mul3A_189 : i32
            %add3A_191 = arith.addi %mul3A_190, %add3A : i32
            %mul3A_192 = arith.constant 128 : i32
            %mul3A_193 = arith.muli %add3A_191, %mul3A_192 : i32
            %dma_wait3A_194 = arith.constant 8 : i32
            %dma_wait3A_195 = arith.constant 0 : i32
            %dma_wait3A_196 = tpu.memref_slice %arg6[%dma_wait3A_194, %dma_wait3A_195] : memref<16x128xi32, #tpu.memory_space<vmem>> -> memref<1x128xi32, #tpu.memory_space<vmem>>
            %dma_wait3A_197 = tpu.memref_squeeze %dma_wait3A_196 : memref<1x128xi32, #tpu.memory_space<vmem>> -> memref<128xi32, #tpu.memory_space<vmem>>
            %dma_wait3A_198 = tpu.memref_slice %arg3[%mul3A_193] : memref<50000xi32, #tpu.memory_space<hbm>> -> memref<128xi32, #tpu.memory_space<hbm>>
            %dma_wait3A_199 = tpu.memref_slice %arg3[%mul3A_193] : memref<50000xi32, #tpu.memory_space<hbm>> -> memref<128xi32, #tpu.memory_space<hbm>>
            %dma_wait3A_200 = arith.constant 0 : i32
            %dma_wait3A_201 = tpu.memref_slice %arg6[%dma_wait3A_194, %dma_wait3A_200] : memref<16x128xi32, #tpu.memory_space<vmem>> -> memref<1x128xi32, #tpu.memory_space<vmem>>
            %dma_wait3A_202 = tpu.memref_squeeze %dma_wait3A_201 : memref<1x128xi32, #tpu.memory_space<vmem>> -> memref<128xi32, #tpu.memory_space<vmem>>
            tpu.wait_dma2 semaphore(%arg12 : memref<!tpu.dma_semaphore, #tpu.memory_space<semaphore_mem>>) src(%dma_wait3A_202 : memref<128xi32, #tpu.memory_space<vmem>>) dst(%dma_wait3A_199 : memref<128xi32, #tpu.memory_space<hbm>>)
          } else {
          }
        } else {
        }
        %mul3A_157 = arith.constant 40 : i32
        %mul3A_158 = arith.muli %and3A_110, %mul3A_157 : i32
        %mul3A_159 = arith.constant 8 : i32
        %mul3A_160 = arith.muli %and3A_112, %mul3A_159 : i32
        %scan3A_161 = arith.constant 0 : i32
        %scan3A_162 = arith.constant 0 : i32
        %scan3A_163 = arith.constant 8 : i32
        %scan3A_164 = arith.addi %scan3A_162, %scan3A_163 : i32
        %scan3A_165 = arith.constant 1 : i32
        scf.for %scan3A_177 = %scan3A_162 to %scan3A_164 step %scan3A_165  : i32 {
          %add3A_178 = arith.constant 0 : i32
          %add3A_179 = arith.addi %mul3A_158, %add3A_178 : i32
          %mul3A_180 = arith.constant 16 : i32
          %mul3A_181 = arith.muli %scan3A_177, %mul3A_180 : i32
          %get3A = arith.index_cast %add3A_179 : i32 to index
          %get3A_182 = arith.index_cast %mul3A_181 : i32 to index
          %get3A_183 = tpu.vector_load %arg4[%get3A, %get3A_182] {strides = array<i32>} : memref<160x128xf32, #tpu.memory_space<vmem>>, vector<16xf32>,
          %convert_element_type3A_184 = arith.fptosi %get3A_183 : vector<16xf32> to vector<16xi32>
          %shift_left3A = arith.constant 2 : i32
          %shift_left3A_185 = vector.broadcast %shift_left3A : i32 to vector<16xi32>
          %shift_left3A_186 = arith.shli %convert_element_type3A_184, %shift_left3A_185 : vector<16xi32>
          %shift_left3A_187 = arith.shli %broadcast_in_dim3A_3, %shift_left3A_186 : vector<16xi32>
          %add3A_188 = arith.addi %broadcast_in_dim3A_1, %shift_left3A_187 : vector<16xi32>
          %add3A_189 = arith.constant 1 : i32
          %add3A_190 = arith.addi %mul3A_158, %add3A_189 : i32
          %mul3A_191 = arith.constant 16 : i32
          %mul3A_192 = arith.muli %scan3A_177, %mul3A_191 : i32
          %get3A_193 = arith.index_cast %add3A_190 : i32 to index
          %get3A_194 = arith.index_cast %mul3A_192 : i32 to index
          %get3A_195 = tpu.vector_load %arg4[%get3A_193, %get3A_194] {strides = array<i32>} : memref<160x128xf32, #tpu.memory_space<vmem>>, vector<16xf32>,
          %convert_element_type3A_196 = arith.fptosi %get3A_195 : vector<16xf32> to vector<16xi32>
          %shift_left3A_197 = arith.constant 2 : i32
          %shift_left3A_198 = vector.broadcast %shift_left3A_197 : i32 to vector<16xi32>
          %shift_left3A_199 = arith.shli %convert_element_type3A_196, %shift_left3A_198 : vector<16xi32>
          %shift_left3A_200 = arith.shli %broadcast_in_dim3A_3, %shift_left3A_199 : vector<16xi32>
          %add3A_201 = arith.addi %add3A_188, %shift_left3A_200 : vector<16xi32>
          %add3A_202 = arith.constant 2 : i32
          %add3A_203 = arith.addi %mul3A_158, %add3A_202 : i32
          %mul3A_204 = arith.constant 16 : i32
          %mul3A_205 = arith.muli %scan3A_177, %mul3A_204 : i32
          %get3A_206 = arith.index_cast %add3A_203 : i32 to index
          %get3A_207 = arith.index_cast %mul3A_205 : i32 to index
          %get3A_208 = tpu.vector_load %arg4[%get3A_206, %get3A_207] {strides = array<i32>} : memref<160x128xf32, #tpu.memory_space<vmem>>, vector<16xf32>,
          %convert_element_type3A_209 = arith.fptosi %get3A_208 : vector<16xf32> to vector<16xi32>
          %shift_left3A_210 = arith.constant 2 : i32
          %shift_left3A_211 = vector.broadcast %shift_left3A_210 : i32 to vector<16xi32>
          %shift_left3A_212 = arith.shli %convert_element_type3A_209, %shift_left3A_211 : vector<16xi32>
          %shift_left3A_213 = arith.shli %broadcast_in_dim3A_3, %shift_left3A_212 : vector<16xi32>
          %add3A_214 = arith.addi %add3A_201, %shift_left3A_213 : vector<16xi32>
          %add3A_215 = arith.constant 3 : i32
          %add3A_216 = arith.addi %mul3A_158, %add3A_215 : i32
          %mul3A_217 = arith.constant 16 : i32
          %mul3A_218 = arith.muli %scan3A_177, %mul3A_217 : i32
          %get3A_219 = arith.index_cast %add3A_216 : i32 to index
          %get3A_220 = arith.index_cast %mul3A_218 : i32 to index
          %get3A_221 = tpu.vector_load %arg4[%get3A_219, %get3A_220] {strides = array<i32>} : memref<160x128xf32, #tpu.memory_space<vmem>>, vector<16xf32>,
          %convert_element_type3A_222 = arith.fptosi %get3A_221 : vector<16xf32> to vector<16xi32>
          %shift_left3A_223 = arith.constant 2 : i32
          %shift_left3A_224 = vector.broadcast %shift_left3A_223 : i32 to vector<16xi32>
          %shift_left3A_225 = arith.shli %convert_element_type3A_222, %shift_left3A_224 : vector<16xi32>
          %shift_left3A_226 = arith.shli %broadcast_in_dim3A_3, %shift_left3A_225 : vector<16xi32>
          %add3A_227 = arith.addi %add3A_214, %shift_left3A_226 : vector<16xi32>
          %add3A_228 = arith.constant 4 : i32
          %add3A_229 = arith.addi %mul3A_158, %add3A_228 : i32
          %mul3A_230 = arith.constant 16 : i32
          %mul3A_231 = arith.muli %scan3A_177, %mul3A_230 : i32
          %get3A_232 = arith.index_cast %add3A_229 : i32 to index
          %get3A_233 = arith.index_cast %mul3A_231 : i32 to index
          %get3A_234 = tpu.vector_load %arg4[%get3A_232, %get3A_233] {strides = array<i32>} : memref<160x128xf32, #tpu.memory_space<vmem>>, vector<16xf32>,
          %convert_element_type3A_235 = arith.fptosi %get3A_234 : vector<16xf32> to vector<16xi32>
          %shift_left3A_236 = arith.constant 2 : i32
          %shift_left3A_237 = vector.broadcast %shift_left3A_236 : i32 to vector<16xi32>
          %shift_left3A_238 = arith.shli %convert_element_type3A_235, %shift_left3A_237 : vector<16xi32>
          %shift_left3A_239 = arith.shli %broadcast_in_dim3A_3, %shift_left3A_238 : vector<16xi32>
          %add3A_240 = arith.addi %add3A_227, %shift_left3A_239 : vector<16xi32>
          %add3A_241 = arith.constant 5 : i32
          %add3A_242 = arith.addi %mul3A_158, %add3A_241 : i32
          %mul3A_243 = arith.constant 16 : i32
          %mul3A_244 = arith.muli %scan3A_177, %mul3A_243 : i32
          %get3A_245 = arith.index_cast %add3A_242 : i32 to index
          %get3A_246 = arith.index_cast %mul3A_244 : i32 to index
          %get3A_247 = tpu.vector_load %arg4[%get3A_245, %get3A_246] {strides = array<i32>} : memref<160x128xf32, #tpu.memory_space<vmem>>, vector<16xf32>,
          %convert_element_type3A_248 = arith.fptosi %get3A_247 : vector<16xf32> to vector<16xi32>
          %shift_left3A_249 = arith.constant 2 : i32
          %shift_left3A_250 = vector.broadcast %shift_left3A_249 : i32 to vector<16xi32>
          %shift_left3A_251 = arith.shli %convert_element_type3A_248, %shift_left3A_250 : vector<16xi32>
          %shift_left3A_252 = arith.shli %broadcast_in_dim3A_3, %shift_left3A_251 : vector<16xi32>
          %add3A_253 = arith.addi %add3A_240, %shift_left3A_252 : vector<16xi32>
          %add3A_254 = arith.constant 6 : i32
          %add3A_255 = arith.addi %mul3A_158, %add3A_254 : i32
          %mul3A_256 = arith.constant 16 : i32
          %mul3A_257 = arith.muli %scan3A_177, %mul3A_256 : i32
          %get3A_258 = arith.index_cast %add3A_255 : i32 to index
          %get3A_259 = arith.index_cast %mul3A_257 : i32 to index
          %get3A_260 = tpu.vector_load %arg4[%get3A_258, %get3A_259] {strides = array<i32>} : memref<160x128xf32, #tpu.memory_space<vmem>>, vector<16xf32>,
          %convert_element_type3A_261 = arith.fptosi %get3A_260 : vector<16xf32> to vector<16xi32>
          %shift_left3A_262 = arith.constant 2 : i32
          %shift_left3A_263 = vector.broadcast %shift_left3A_262 : i32 to vector<16xi32>
          %shift_left3A_264 = arith.shli %convert_element_type3A_261, %shift_left3A_263 : vector<16xi32>
          %shift_left3A_265 = arith.shli %broadcast_in_dim3A_3, %shift_left3A_264 : vector<16xi32>
          %add3A_266 = arith.addi %add3A_253, %shift_left3A_265 : vector<16xi32>
          %add3A_267 = arith.constant 7 : i32
          %add3A_268 = arith.addi %mul3A_158, %add3A_267 : i32
          %mul3A_269 = arith.constant 16 : i32
          %mul3A_270 = arith.muli %scan3A_177, %mul3A_269 : i32
          %get3A_271 = arith.index_cast %add3A_268 : i32 to index
          %get3A_272 = arith.index_cast %mul3A_270 : i32 to index
          %get3A_273 = tpu.vector_load %arg4[%get3A_271, %get3A_272] {strides = array<i32>} : memref<160x128xf32, #tpu.memory_space<vmem>>, vector<16xf32>,
          %convert_element_type3A_274 = arith.fptosi %get3A_273 : vector<16xf32> to vector<16xi32>
          %shift_left3A_275 = arith.constant 2 : i32
          %shift_left3A_276 = vector.broadcast %shift_left3A_275 : i32 to vector<16xi32>
          %shift_left3A_277 = arith.shli %convert_element_type3A_274, %shift_left3A_276 : vector<16xi32>
          %shift_left3A_278 = arith.shli %broadcast_in_dim3A_3, %shift_left3A_277 : vector<16xi32>
          %add3A_279 = arith.addi %add3A_266, %shift_left3A_278 : vector<16xi32>
          %add3A_280 = arith.constant 8 : i32
          %add3A_281 = arith.addi %mul3A_158, %add3A_280 : i32
          %mul3A_282 = arith.constant 16 : i32
          %mul3A_283 = arith.muli %scan3A_177, %mul3A_282 : i32
          %get3A_284 = arith.index_cast %add3A_281 : i32 to index
          %get3A_285 = arith.index_cast %mul3A_283 : i32 to index
          %get3A_286 = tpu.vector_load %arg4[%get3A_284, %get3A_285] {strides = array<i32>} : memref<160x128xf32, #tpu.memory_space<vmem>>, vector<16xf32>,
          %convert_element_type3A_287 = arith.fptosi %get3A_286 : vector<16xf32> to vector<16xi32>
          %shift_left3A_288 = arith.constant 2 : i32
          %shift_left3A_289 = vector.broadcast %shift_left3A_288 : i32 to vector<16xi32>
          %shift_left3A_290 = arith.shli %convert_element_type3A_287, %shift_left3A_289 : vector<16xi32>
          %shift_left3A_291 = arith.shli %broadcast_in_dim3A_3, %shift_left3A_290 : vector<16xi32>
          %add3A_292 = arith.addi %add3A_279, %shift_left3A_291 : vector<16xi32>
          %add3A_293 = arith.constant 9 : i32
          %add3A_294 = arith.addi %mul3A_158, %add3A_293 : i32
          %mul3A_295 = arith.constant 16 : i32
          %mul3A_296 = arith.muli %scan3A_177, %mul3A_295 : i32
          %get3A_297 = arith.index_cast %add3A_294 : i32 to index
          %get3A_298 = arith.index_cast %mul3A_296 : i32 to index
          %get3A_299 = tpu.vector_load %arg4[%get3A_297, %get3A_298] {strides = array<i32>} : memref<160x128xf32, #tpu.memory_space<vmem>>, vector<16xf32>,
          %convert_element_type3A_300 = arith.fptosi %get3A_299 : vector<16xf32> to vector<16xi32>
          %shift_left3A_301 = arith.constant 2 : i32
          %shift_left3A_302 = vector.broadcast %shift_left3A_301 : i32 to vector<16xi32>
          %shift_left3A_303 = arith.shli %convert_element_type3A_300, %shift_left3A_302 : vector<16xi32>
          %shift_left3A_304 = arith.shli %broadcast_in_dim3A_3, %shift_left3A_303 : vector<16xi32>
          %add3A_305 = arith.addi %add3A_292, %shift_left3A_304 : vector<16xi32>
          %add3A_306 = arith.constant 10 : i32
          %add3A_307 = arith.addi %mul3A_158, %add3A_306 : i32
          %mul3A_308 = arith.constant 16 : i32
          %mul3A_309 = arith.muli %scan3A_177, %mul3A_308 : i32
          %get3A_310 = arith.index_cast %add3A_307 : i32 to index
          %get3A_311 = arith.index_cast %mul3A_309 : i32 to index
          %get3A_312 = tpu.vector_load %arg4[%get3A_310, %get3A_311] {strides = array<i32>} : memref<160x128xf32, #tpu.memory_space<vmem>>, vector<16xf32>,
          %convert_element_type3A_313 = arith.fptosi %get3A_312 : vector<16xf32> to vector<16xi32>
          %shift_left3A_314 = arith.constant 2 : i32
          %shift_left3A_315 = vector.broadcast %shift_left3A_314 : i32 to vector<16xi32>
          %shift_left3A_316 = arith.shli %convert_element_type3A_313, %shift_left3A_315 : vector<16xi32>
          %shift_left3A_317 = arith.shli %broadcast_in_dim3A_3, %shift_left3A_316 : vector<16xi32>
          %add3A_318 = arith.addi %add3A_305, %shift_left3A_317 : vector<16xi32>
          %add3A_319 = arith.constant 11 : i32
          %add3A_320 = arith.addi %mul3A_158, %add3A_319 : i32
          %mul3A_321 = arith.constant 16 : i32
          %mul3A_322 = arith.muli %scan3A_177, %mul3A_321 : i32
          %get3A_323 = arith.index_cast %add3A_320 : i32 to index
          %get3A_324 = arith.index_cast %mul3A_322 : i32 to index
          %get3A_325 = tpu.vector_load %arg4[%get3A_323, %get3A_324] {strides = array<i32>} : memref<160x128xf32, #tpu.memory_space<vmem>>, vector<16xf32>,
          %convert_element_type3A_326 = arith.fptosi %get3A_325 : vector<16xf32> to vector<16xi32>
          %shift_left3A_327 = arith.constant 2 : i32
          %shift_left3A_328 = vector.broadcast %shift_left3A_327 : i32 to vector<16xi32>
          %shift_left3A_329 = arith.shli %convert_element_type3A_326, %shift_left3A_328 : vector<16xi32>
          %shift_left3A_330 = arith.shli %broadcast_in_dim3A_3, %shift_left3A_329 : vector<16xi32>
          %add3A_331 = arith.addi %add3A_318, %shift_left3A_330 : vector<16xi32>
          %add3A_332 = arith.constant 12 : i32
          %add3A_333 = arith.addi %mul3A_158, %add3A_332 : i32
          %mul3A_334 = arith.constant 16 : i32
          %mul3A_335 = arith.muli %scan3A_177, %mul3A_334 : i32
          %get3A_336 = arith.index_cast %add3A_333 : i32 to index
          %get3A_337 = arith.index_cast %mul3A_335 : i32 to index
          %get3A_338 = tpu.vector_load %arg4[%get3A_336, %get3A_337] {strides = array<i32>} : memref<160x128xf32, #tpu.memory_space<vmem>>, vector<16xf32>,
          %convert_element_type3A_339 = arith.fptosi %get3A_338 : vector<16xf32> to vector<16xi32>
          %shift_left3A_340 = arith.constant 2 : i32
          %shift_left3A_341 = vector.broadcast %shift_left3A_340 : i32 to vector<16xi32>
          %shift_left3A_342 = arith.shli %convert_element_type3A_339, %shift_left3A_341 : vector<16xi32>
          %shift_left3A_343 = arith.shli %broadcast_in_dim3A_3, %shift_left3A_342 : vector<16xi32>
          %add3A_344 = arith.addi %add3A_331, %shift_left3A_343 : vector<16xi32>
          %add3A_345 = arith.constant 13 : i32
          %add3A_346 = arith.addi %mul3A_158, %add3A_345 : i32
          %mul3A_347 = arith.constant 16 : i32
          %mul3A_348 = arith.muli %scan3A_177, %mul3A_347 : i32
          %get3A_349 = arith.index_cast %add3A_346 : i32 to index
          %get3A_350 = arith.index_cast %mul3A_348 : i32 to index
          %get3A_351 = tpu.vector_load %arg4[%get3A_349, %get3A_350] {strides = array<i32>} : memref<160x128xf32, #tpu.memory_space<vmem>>, vector<16xf32>,
          %convert_element_type3A_352 = arith.fptosi %get3A_351 : vector<16xf32> to vector<16xi32>
          %shift_left3A_353 = arith.constant 2 : i32
          %shift_left3A_354 = vector.broadcast %shift_left3A_353 : i32 to vector<16xi32>
          %shift_left3A_355 = arith.shli %convert_element_type3A_352, %shift_left3A_354 : vector<16xi32>
          %shift_left3A_356 = arith.shli %broadcast_in_dim3A_3, %shift_left3A_355 : vector<16xi32>
          %add3A_357 = arith.addi %add3A_344, %shift_left3A_356 : vector<16xi32>
          %add3A_358 = arith.constant 14 : i32
          %add3A_359 = arith.addi %mul3A_158, %add3A_358 : i32
          %mul3A_360 = arith.constant 16 : i32
          %mul3A_361 = arith.muli %scan3A_177, %mul3A_360 : i32
          %get3A_362 = arith.index_cast %add3A_359 : i32 to index
          %get3A_363 = arith.index_cast %mul3A_361 : i32 to index
          %get3A_364 = tpu.vector_load %arg4[%get3A_362, %get3A_363] {strides = array<i32>} : memref<160x128xf32, #tpu.memory_space<vmem>>, vector<16xf32>,
          %convert_element_type3A_365 = arith.fptosi %get3A_364 : vector<16xf32> to vector<16xi32>
          %shift_left3A_366 = arith.constant 2 : i32
          %shift_left3A_367 = vector.broadcast %shift_left3A_366 : i32 to vector<16xi32>
          %shift_left3A_368 = arith.shli %convert_element_type3A_365, %shift_left3A_367 : vector<16xi32>
          %shift_left3A_369 = arith.shli %broadcast_in_dim3A_3, %shift_left3A_368 : vector<16xi32>
          %add3A_370 = arith.addi %add3A_357, %shift_left3A_369 : vector<16xi32>
          %add3A_371 = arith.constant 15 : i32
          %add3A_372 = arith.addi %mul3A_158, %add3A_371 : i32
          %mul3A_373 = arith.constant 16 : i32
          %mul3A_374 = arith.muli %scan3A_177, %mul3A_373 : i32
          %get3A_375 = arith.index_cast %add3A_372 : i32 to index
          %get3A_376 = arith.index_cast %mul3A_374 : i32 to index
          %get3A_377 = tpu.vector_load %arg4[%get3A_375, %get3A_376] {strides = array<i32>} : memref<160x128xf32, #tpu.memory_space<vmem>>, vector<16xf32>,
          %convert_element_type3A_378 = arith.fptosi %get3A_377 : vector<16xf32> to vector<16xi32>
          %shift_left3A_379 = arith.constant 2 : i32
          %shift_left3A_380 = vector.broadcast %shift_left3A_379 : i32 to vector<16xi32>
          %shift_left3A_381 = arith.shli %convert_element_type3A_378, %shift_left3A_380 : vector<16xi32>
          %shift_left3A_382 = arith.shli %broadcast_in_dim3A_3, %shift_left3A_381 : vector<16xi32>
          %add3A_383 = arith.addi %broadcast_in_dim3A_1, %shift_left3A_382 : vector<16xi32>
          %add3A_384 = arith.constant 16 : i32
          %add3A_385 = arith.addi %mul3A_158, %add3A_384 : i32
          %mul3A_386 = arith.constant 16 : i32
          %mul3A_387 = arith.muli %scan3A_177, %mul3A_386 : i32
          %get3A_388 = arith.index_cast %add3A_385 : i32 to index
          %get3A_389 = arith.index_cast %mul3A_387 : i32 to index
          %get3A_390 = tpu.vector_load %arg4[%get3A_388, %get3A_389] {strides = array<i32>} : memref<160x128xf32, #tpu.memory_space<vmem>>, vector<16xf32>,
          %convert_element_type3A_391 = arith.fptosi %get3A_390 : vector<16xf32> to vector<16xi32>
          %shift_left3A_392 = arith.constant 2 : i32
          %shift_left3A_393 = vector.broadcast %shift_left3A_392 : i32 to vector<16xi32>
          %shift_left3A_394 = arith.shli %convert_element_type3A_391, %shift_left3A_393 : vector<16xi32>
          %shift_left3A_395 = arith.shli %broadcast_in_dim3A_3, %shift_left3A_394 : vector<16xi32>
          %add3A_396 = arith.addi %add3A_383, %shift_left3A_395 : vector<16xi32>
          %add3A_397 = arith.constant 17 : i32
          %add3A_398 = arith.addi %mul3A_158, %add3A_397 : i32
          %mul3A_399 = arith.constant 16 : i32
          %mul3A_400 = arith.muli %scan3A_177, %mul3A_399 : i32
          %get3A_401 = arith.index_cast %add3A_398 : i32 to index
          %get3A_402 = arith.index_cast %mul3A_400 : i32 to index
          %get3A_403 = tpu.vector_load %arg4[%get3A_401, %get3A_402] {strides = array<i32>} : memref<160x128xf32, #tpu.memory_space<vmem>>, vector<16xf32>,
          %convert_element_type3A_404 = arith.fptosi %get3A_403 : vector<16xf32> to vector<16xi32>
          %shift_left3A_405 = arith.constant 2 : i32
          %shift_left3A_406 = vector.broadcast %shift_left3A_405 : i32 to vector<16xi32>
          %shift_left3A_407 = arith.shli %convert_element_type3A_404, %shift_left3A_406 : vector<16xi32>
          %shift_left3A_408 = arith.shli %broadcast_in_dim3A_3, %shift_left3A_407 : vector<16xi32>
          %add3A_409 = arith.addi %add3A_396, %shift_left3A_408 : vector<16xi32>
          %add3A_410 = arith.constant 18 : i32
          %add3A_411 = arith.addi %mul3A_158, %add3A_410 : i32
          %mul3A_412 = arith.constant 16 : i32
          %mul3A_413 = arith.muli %scan3A_177, %mul3A_412 : i32
          %get3A_414 = arith.index_cast %add3A_411 : i32 to index
          %get3A_415 = arith.index_cast %mul3A_413 : i32 to index
          %get3A_416 = tpu.vector_load %arg4[%get3A_414, %get3A_415] {strides = array<i32>} : memref<160x128xf32, #tpu.memory_space<vmem>>, vector<16xf32>,
          %convert_element_type3A_417 = arith.fptosi %get3A_416 : vector<16xf32> to vector<16xi32>
          %shift_left3A_418 = arith.constant 2 : i32
          %shift_left3A_419 = vector.broadcast %shift_left3A_418 : i32 to vector<16xi32>
          %shift_left3A_420 = arith.shli %convert_element_type3A_417, %shift_left3A_419 : vector<16xi32>
          %shift_left3A_421 = arith.shli %broadcast_in_dim3A_3, %shift_left3A_420 : vector<16xi32>
          %add3A_422 = arith.addi %add3A_409, %shift_left3A_421 : vector<16xi32>
          %add3A_423 = arith.constant 19 : i32
          %add3A_424 = arith.addi %mul3A_158, %add3A_423 : i32
          %mul3A_425 = arith.constant 16 : i32
          %mul3A_426 = arith.muli %scan3A_177, %mul3A_425 : i32
          %get3A_427 = arith.index_cast %add3A_424 : i32 to index
          %get3A_428 = arith.index_cast %mul3A_426 : i32 to index
          %get3A_429 = tpu.vector_load %arg4[%get3A_427, %get3A_428] {strides = array<i32>} : memref<160x128xf32, #tpu.memory_space<vmem>>, vector<16xf32>,
          %convert_element_type3A_430 = arith.fptosi %get3A_429 : vector<16xf32> to vector<16xi32>
          %shift_left3A_431 = arith.constant 2 : i32
          %shift_left3A_432 = vector.broadcast %shift_left3A_431 : i32 to vector<16xi32>
          %shift_left3A_433 = arith.shli %convert_element_type3A_430, %shift_left3A_432 : vector<16xi32>
          %shift_left3A_434 = arith.shli %broadcast_in_dim3A_3, %shift_left3A_433 : vector<16xi32>
          %add3A_435 = arith.addi %add3A_422, %shift_left3A_434 : vector<16xi32>
          %add3A_436 = arith.constant 20 : i32
          %add3A_437 = arith.addi %mul3A_158, %add3A_436 : i32
          %mul3A_438 = arith.constant 16 : i32
          %mul3A_439 = arith.muli %scan3A_177, %mul3A_438 : i32
          %get3A_440 = arith.index_cast %add3A_437 : i32 to index
          %get3A_441 = arith.index_cast %mul3A_439 : i32 to index
          %get3A_442 = tpu.vector_load %arg4[%get3A_440, %get3A_441] {strides = array<i32>} : memref<160x128xf32, #tpu.memory_space<vmem>>, vector<16xf32>,
          %convert_element_type3A_443 = arith.fptosi %get3A_442 : vector<16xf32> to vector<16xi32>
          %shift_left3A_444 = arith.constant 2 : i32
          %shift_left3A_445 = vector.broadcast %shift_left3A_444 : i32 to vector<16xi32>
          %shift_left3A_446 = arith.shli %convert_element_type3A_443, %shift_left3A_445 : vector<16xi32>
          %shift_left3A_447 = arith.shli %broadcast_in_dim3A_3, %shift_left3A_446 : vector<16xi32>
          %add3A_448 = arith.addi %add3A_435, %shift_left3A_447 : vector<16xi32>
          %add3A_449 = arith.constant 21 : i32
          %add3A_450 = arith.addi %mul3A_158, %add3A_449 : i32
          %mul3A_451 = arith.constant 16 : i32
          %mul3A_452 = arith.muli %scan3A_177, %mul3A_451 : i32
          %get3A_453 = arith.index_cast %add3A_450 : i32 to index
          %get3A_454 = arith.index_cast %mul3A_452 : i32 to index
          %get3A_455 = tpu.vector_load %arg4[%get3A_453, %get3A_454] {strides = array<i32>} : memref<160x128xf32, #tpu.memory_space<vmem>>, vector<16xf32>,
          %convert_element_type3A_456 = arith.fptosi %get3A_455 : vector<16xf32> to vector<16xi32>
          %shift_left3A_457 = arith.constant 2 : i32
          %shift_left3A_458 = vector.broadcast %shift_left3A_457 : i32 to vector<16xi32>
          %shift_left3A_459 = arith.shli %convert_element_type3A_456, %shift_left3A_458 : vector<16xi32>
          %shift_left3A_460 = arith.shli %broadcast_in_dim3A_3, %shift_left3A_459 : vector<16xi32>
          %add3A_461 = arith.addi %add3A_448, %shift_left3A_460 : vector<16xi32>
          %add3A_462 = arith.constant 22 : i32
          %add3A_463 = arith.addi %mul3A_158, %add3A_462 : i32
          %mul3A_464 = arith.constant 16 : i32
          %mul3A_465 = arith.muli %scan3A_177, %mul3A_464 : i32
          %get3A_466 = arith.index_cast %add3A_463 : i32 to index
          %get3A_467 = arith.index_cast %mul3A_465 : i32 to index
          %get3A_468 = tpu.vector_load %arg4[%get3A_466, %get3A_467] {strides = array<i32>} : memref<160x128xf32, #tpu.memory_space<vmem>>, vector<16xf32>,
          %convert_element_type3A_469 = arith.fptosi %get3A_468 : vector<16xf32> to vector<16xi32>
          %shift_left3A_470 = arith.constant 2 : i32
          %shift_left3A_471 = vector.broadcast %shift_left3A_470 : i32 to vector<16xi32>
          %shift_left3A_472 = arith.shli %convert_element_type3A_469, %shift_left3A_471 : vector<16xi32>
          %shift_left3A_473 = arith.shli %broadcast_in_dim3A_3, %shift_left3A_472 : vector<16xi32>
          %add3A_474 = arith.addi %add3A_461, %shift_left3A_473 : vector<16xi32>
          %add3A_475 = arith.constant 23 : i32
          %add3A_476 = arith.addi %mul3A_158, %add3A_475 : i32
          %mul3A_477 = arith.constant 16 : i32
          %mul3A_478 = arith.muli %scan3A_177, %mul3A_477 : i32
          %get3A_479 = arith.index_cast %add3A_476 : i32 to index
          %get3A_480 = arith.index_cast %mul3A_478 : i32 to index
          %get3A_481 = tpu.vector_load %arg4[%get3A_479, %get3A_480] {strides = array<i32>} : memref<160x128xf32, #tpu.memory_space<vmem>>, vector<16xf32>,
          %convert_element_type3A_482 = arith.fptosi %get3A_481 : vector<16xf32> to vector<16xi32>
          %shift_left3A_483 = arith.constant 2 : i32
          %shift_left3A_484 = vector.broadcast %shift_left3A_483 : i32 to vector<16xi32>
          %shift_left3A_485 = arith.shli %convert_element_type3A_482, %shift_left3A_484 : vector<16xi32>
          %shift_left3A_486 = arith.shli %broadcast_in_dim3A_3, %shift_left3A_485 : vector<16xi32>
          %add3A_487 = arith.addi %add3A_474, %shift_left3A_486 : vector<16xi32>
          %add3A_488 = arith.constant 24 : i32
          %add3A_489 = arith.addi %mul3A_158, %add3A_488 : i32
          %mul3A_490 = arith.constant 16 : i32
          %mul3A_491 = arith.muli %scan3A_177, %mul3A_490 : i32
          %get3A_492 = arith.index_cast %add3A_489 : i32 to index
          %get3A_493 = arith.index_cast %mul3A_491 : i32 to index
          %get3A_494 = tpu.vector_load %arg4[%get3A_492, %get3A_493] {strides = array<i32>} : memref<160x128xf32, #tpu.memory_space<vmem>>, vector<16xf32>,
          %convert_element_type3A_495 = arith.fptosi %get3A_494 : vector<16xf32> to vector<16xi32>
          %shift_left3A_496 = arith.constant 2 : i32
          %shift_left3A_497 = vector.broadcast %shift_left3A_496 : i32 to vector<16xi32>
          %shift_left3A_498 = arith.shli %convert_element_type3A_495, %shift_left3A_497 : vector<16xi32>
          %shift_left3A_499 = arith.shli %broadcast_in_dim3A_3, %shift_left3A_498 : vector<16xi32>
          %add3A_500 = arith.addi %add3A_487, %shift_left3A_499 : vector<16xi32>
          %add3A_501 = arith.constant 25 : i32
          %add3A_502 = arith.addi %mul3A_158, %add3A_501 : i32
          %mul3A_503 = arith.constant 16 : i32
          %mul3A_504 = arith.muli %scan3A_177, %mul3A_503 : i32
          %get3A_505 = arith.index_cast %add3A_502 : i32 to index
          %get3A_506 = arith.index_cast %mul3A_504 : i32 to index
          %get3A_507 = tpu.vector_load %arg4[%get3A_505, %get3A_506] {strides = array<i32>} : memref<160x128xf32, #tpu.memory_space<vmem>>, vector<16xf32>,
          %convert_element_type3A_508 = arith.fptosi %get3A_507 : vector<16xf32> to vector<16xi32>
          %shift_left3A_509 = arith.constant 2 : i32
          %shift_left3A_510 = vector.broadcast %shift_left3A_509 : i32 to vector<16xi32>
          %shift_left3A_511 = arith.shli %convert_element_type3A_508, %shift_left3A_510 : vector<16xi32>
          %shift_left3A_512 = arith.shli %broadcast_in_dim3A_3, %shift_left3A_511 : vector<16xi32>
          %add3A_513 = arith.addi %add3A_500, %shift_left3A_512 : vector<16xi32>
          %add3A_514 = arith.constant 26 : i32
          %add3A_515 = arith.addi %mul3A_158, %add3A_514 : i32
          %mul3A_516 = arith.constant 16 : i32
          %mul3A_517 = arith.muli %scan3A_177, %mul3A_516 : i32
          %get3A_518 = arith.index_cast %add3A_515 : i32 to index
          %get3A_519 = arith.index_cast %mul3A_517 : i32 to index
          %get3A_520 = tpu.vector_load %arg4[%get3A_518, %get3A_519] {strides = array<i32>} : memref<160x128xf32, #tpu.memory_space<vmem>>, vector<16xf32>,
          %convert_element_type3A_521 = arith.fptosi %get3A_520 : vector<16xf32> to vector<16xi32>
          %shift_left3A_522 = arith.constant 2 : i32
          %shift_left3A_523 = vector.broadcast %shift_left3A_522 : i32 to vector<16xi32>
          %shift_left3A_524 = arith.shli %convert_element_type3A_521, %shift_left3A_523 : vector<16xi32>
          %shift_left3A_525 = arith.shli %broadcast_in_dim3A_3, %shift_left3A_524 : vector<16xi32>
          %add3A_526 = arith.addi %add3A_513, %shift_left3A_525 : vector<16xi32>
          %add3A_527 = arith.constant 27 : i32
          %add3A_528 = arith.addi %mul3A_158, %add3A_527 : i32
          %mul3A_529 = arith.constant 16 : i32
          %mul3A_530 = arith.muli %scan3A_177, %mul3A_529 : i32
          %get3A_531 = arith.index_cast %add3A_528 : i32 to index
          %get3A_532 = arith.index_cast %mul3A_530 : i32 to index
          %get3A_533 = tpu.vector_load %arg4[%get3A_531, %get3A_532] {strides = array<i32>} : memref<160x128xf32, #tpu.memory_space<vmem>>, vector<16xf32>,
          %convert_element_type3A_534 = arith.fptosi %get3A_533 : vector<16xf32> to vector<16xi32>
          %shift_left3A_535 = arith.constant 2 : i32
          %shift_left3A_536 = vector.broadcast %shift_left3A_535 : i32 to vector<16xi32>
          %shift_left3A_537 = arith.shli %convert_element_type3A_534, %shift_left3A_536 : vector<16xi32>
          %shift_left3A_538 = arith.shli %broadcast_in_dim3A_3, %shift_left3A_537 : vector<16xi32>
          %add3A_539 = arith.addi %add3A_526, %shift_left3A_538 : vector<16xi32>
          %add3A_540 = arith.constant 28 : i32
          %add3A_541 = arith.addi %mul3A_158, %add3A_540 : i32
          %mul3A_542 = arith.constant 16 : i32
          %mul3A_543 = arith.muli %scan3A_177, %mul3A_542 : i32
          %get3A_544 = arith.index_cast %add3A_541 : i32 to index
          %get3A_545 = arith.index_cast %mul3A_543 : i32 to index
          %get3A_546 = tpu.vector_load %arg4[%get3A_544, %get3A_545] {strides = array<i32>} : memref<160x128xf32, #tpu.memory_space<vmem>>, vector<16xf32>,
          %convert_element_type3A_547 = arith.fptosi %get3A_546 : vector<16xf32> to vector<16xi32>
          %shift_left3A_548 = arith.constant 2 : i32
          %shift_left3A_549 = vector.broadcast %shift_left3A_548 : i32 to vector<16xi32>
          %shift_left3A_550 = arith.shli %convert_element_type3A_547, %shift_left3A_549 : vector<16xi32>
          %shift_left3A_551 = arith.shli %broadcast_in_dim3A_3, %shift_left3A_550 : vector<16xi32>
          %add3A_552 = arith.addi %add3A_539, %shift_left3A_551 : vector<16xi32>
          %add3A_553 = arith.constant 29 : i32
          %add3A_554 = arith.addi %mul3A_158, %add3A_553 : i32
          %mul3A_555 = arith.constant 16 : i32
          %mul3A_556 = arith.muli %scan3A_177, %mul3A_555 : i32
          %get3A_557 = arith.index_cast %add3A_554 : i32 to index
          %get3A_558 = arith.index_cast %mul3A_556 : i32 to index
          %get3A_559 = tpu.vector_load %arg4[%get3A_557, %get3A_558] {strides = array<i32>} : memref<160x128xf32, #tpu.memory_space<vmem>>, vector<16xf32>,
          %convert_element_type3A_560 = arith.fptosi %get3A_559 : vector<16xf32> to vector<16xi32>
          %shift_left3A_561 = arith.constant 2 : i32
          %shift_left3A_562 = vector.broadcast %shift_left3A_561 : i32 to vector<16xi32>
          %shift_left3A_563 = arith.shli %convert_element_type3A_560, %shift_left3A_562 : vector<16xi32>
          %shift_left3A_564 = arith.shli %broadcast_in_dim3A_3, %shift_left3A_563 : vector<16xi32>
          %add3A_565 = arith.addi %add3A_552, %shift_left3A_564 : vector<16xi32>
          %add3A_566 = arith.constant 30 : i32
          %add3A_567 = arith.addi %mul3A_158, %add3A_566 : i32
          %mul3A_568 = arith.constant 16 : i32
          %mul3A_569 = arith.muli %scan3A_177, %mul3A_568 : i32
          %get3A_570 = arith.index_cast %add3A_567 : i32 to index
          %get3A_571 = arith.index_cast %mul3A_569 : i32 to index
          %get3A_572 = tpu.vector_load %arg4[%get3A_570, %get3A_571] {strides = array<i32>} : memref<160x128xf32, #tpu.memory_space<vmem>>, vector<16xf32>,
          %convert_element_type3A_573 = arith.fptosi %get3A_572 : vector<16xf32> to vector<16xi32>
          %shift_left3A_574 = arith.constant 2 : i32
          %shift_left3A_575 = vector.broadcast %shift_left3A_574 : i32 to vector<16xi32>
          %shift_left3A_576 = arith.shli %convert_element_type3A_573, %shift_left3A_575 : vector<16xi32>
          %shift_left3A_577 = arith.shli %broadcast_in_dim3A_3, %shift_left3A_576 : vector<16xi32>
          %add3A_578 = arith.addi %broadcast_in_dim3A_1, %shift_left3A_577 : vector<16xi32>
          %add3A_579 = arith.constant 31 : i32
          %add3A_580 = arith.addi %mul3A_158, %add3A_579 : i32
          %mul3A_581 = arith.constant 16 : i32
          %mul3A_582 = arith.muli %scan3A_177, %mul3A_581 : i32
          %get3A_583 = arith.index_cast %add3A_580 : i32 to index
          %get3A_584 = arith.index_cast %mul3A_582 : i32 to index
          %get3A_585 = tpu.vector_load %arg4[%get3A_583, %get3A_584] {strides = array<i32>} : memref<160x128xf32, #tpu.memory_space<vmem>>, vector<16xf32>,
          %convert_element_type3A_586 = arith.fptosi %get3A_585 : vector<16xf32> to vector<16xi32>
          %shift_left3A_587 = arith.constant 2 : i32
          %shift_left3A_588 = vector.broadcast %shift_left3A_587 : i32 to vector<16xi32>
          %shift_left3A_589 = arith.shli %convert_element_type3A_586, %shift_left3A_588 : vector<16xi32>
          %shift_left3A_590 = arith.shli %broadcast_in_dim3A_3, %shift_left3A_589 : vector<16xi32>
          %add3A_591 = arith.addi %add3A_578, %shift_left3A_590 : vector<16xi32>
          %add3A_592 = arith.constant 32 : i32
          %add3A_593 = arith.addi %mul3A_158, %add3A_592 : i32
          %mul3A_594 = arith.constant 16 : i32
          %mul3A_595 = arith.muli %scan3A_177, %mul3A_594 : i32
          %get3A_596 = arith.index_cast %add3A_593 : i32 to index
          %get3A_597 = arith.index_cast %mul3A_595 : i32 to index
          %get3A_598 = tpu.vector_load %arg4[%get3A_596, %get3A_597] {strides = array<i32>} : memref<160x128xf32, #tpu.memory_space<vmem>>, vector<16xf32>,
          %convert_element_type3A_599 = arith.fptosi %get3A_598 : vector<16xf32> to vector<16xi32>
          %shift_left3A_600 = arith.constant 2 : i32
          %shift_left3A_601 = vector.broadcast %shift_left3A_600 : i32 to vector<16xi32>
          %shift_left3A_602 = arith.shli %convert_element_type3A_599, %shift_left3A_601 : vector<16xi32>
          %shift_left3A_603 = arith.shli %broadcast_in_dim3A_3, %shift_left3A_602 : vector<16xi32>
          %add3A_604 = arith.addi %add3A_591, %shift_left3A_603 : vector<16xi32>
          %add3A_605 = arith.constant 33 : i32
          %add3A_606 = arith.addi %mul3A_158, %add3A_605 : i32
          %mul3A_607 = arith.constant 16 : i32
          %mul3A_608 = arith.muli %scan3A_177, %mul3A_607 : i32
          %get3A_609 = arith.index_cast %add3A_606 : i32 to index
          %get3A_610 = arith.index_cast %mul3A_608 : i32 to index
          %get3A_611 = tpu.vector_load %arg4[%get3A_609, %get3A_610] {strides = array<i32>} : memref<160x128xf32, #tpu.memory_space<vmem>>, vector<16xf32>,
          %convert_element_type3A_612 = arith.fptosi %get3A_611 : vector<16xf32> to vector<16xi32>
          %shift_left3A_613 = arith.constant 2 : i32
          %shift_left3A_614 = vector.broadcast %shift_left3A_613 : i32 to vector<16xi32>
          %shift_left3A_615 = arith.shli %convert_element_type3A_612, %shift_left3A_614 : vector<16xi32>
          %shift_left3A_616 = arith.shli %broadcast_in_dim3A_3, %shift_left3A_615 : vector<16xi32>
          %add3A_617 = arith.addi %add3A_604, %shift_left3A_616 : vector<16xi32>
          %add3A_618 = arith.constant 34 : i32
          %add3A_619 = arith.addi %mul3A_158, %add3A_618 : i32
          %mul3A_620 = arith.constant 16 : i32
          %mul3A_621 = arith.muli %scan3A_177, %mul3A_620 : i32
          %get3A_622 = arith.index_cast %add3A_619 : i32 to index
          %get3A_623 = arith.index_cast %mul3A_621 : i32 to index
          %get3A_624 = tpu.vector_load %arg4[%get3A_622, %get3A_623] {strides = array<i32>} : memref<160x128xf32, #tpu.memory_space<vmem>>, vector<16xf32>,
          %convert_element_type3A_625 = arith.fptosi %get3A_624 : vector<16xf32> to vector<16xi32>
          %shift_left3A_626 = arith.constant 2 : i32
          %shift_left3A_627 = vector.broadcast %shift_left3A_626 : i32 to vector<16xi32>
          %shift_left3A_628 = arith.shli %convert_element_type3A_625, %shift_left3A_627 : vector<16xi32>
          %shift_left3A_629 = arith.shli %broadcast_in_dim3A_3, %shift_left3A_628 : vector<16xi32>
          %add3A_630 = arith.addi %add3A_617, %shift_left3A_629 : vector<16xi32>
          %and3A_631 = arith.andi %add3A_370, %broadcast_in_dim3A_7 : vector<16xi32>
          %and3A_632 = arith.andi %add3A_565, %broadcast_in_dim3A_7 : vector<16xi32>
          %add3A_633 = arith.addi %and3A_631, %and3A_632 : vector<16xi32>
          %and3A_634 = arith.andi %add3A_630, %broadcast_in_dim3A_7 : vector<16xi32>
          %add3A_635 = arith.addi %add3A_633, %and3A_634 : vector<16xi32>
          %shift_right_arithmetic3A = arith.constant 4 : i32
          %shift_right_arithmetic3A_636 = vector.broadcast %shift_right_arithmetic3A : i32 to vector<16xi32>
          %shift_right_arithmetic3A_637 = arith.shrsi %add3A_370, %shift_right_arithmetic3A_636 : vector<16xi32>
          %and3A_638 = arith.andi %shift_right_arithmetic3A_637, %broadcast_in_dim3A_7 : vector<16xi32>
          %shift_right_arithmetic3A_639 = arith.constant 4 : i32
          %shift_right_arithmetic3A_640 = vector.broadcast %shift_right_arithmetic3A_639 : i32 to vector<16xi32>
          %shift_right_arithmetic3A_641 = arith.shrsi %add3A_565, %shift_right_arithmetic3A_640 : vector<16xi32>
          %and3A_642 = arith.andi %shift_right_arithmetic3A_641, %broadcast_in_dim3A_7 : vector<16xi32>
          %add3A_643 = arith.addi %and3A_638, %and3A_642 : vector<16xi32>
          %shift_right_arithmetic3A_644 = arith.constant 4 : i32
          %shift_right_arithmetic3A_645 = vector.broadcast %shift_right_arithmetic3A_644 : i32 to vector<16xi32>
          %shift_right_arithmetic3A_646 = arith.shrsi %add3A_630, %shift_right_arithmetic3A_645 : vector<16xi32>
          %and3A_647 = arith.andi %shift_right_arithmetic3A_646, %broadcast_in_dim3A_7 : vector<16xi32>
          %add3A_648 = arith.addi %add3A_643, %and3A_647 : vector<16xi32>
          %shift_right_arithmetic3A_649 = arith.constant 0 : i32
          %shift_right_arithmetic3A_650 = vector.broadcast %shift_right_arithmetic3A_649 : i32 to vector<16xi32>
          %shift_right_arithmetic3A_651 = arith.shrsi %add3A_648, %shift_right_arithmetic3A_650 : vector<16xi32>
          %and3A_652 = arith.constant 255 : i32
          %and3A_653 = vector.broadcast %and3A_652 : i32 to vector<16xi32>
          %and3A_654 = arith.andi %shift_right_arithmetic3A_651, %and3A_653 : vector<16xi32>
          %shift_left3A_655 = arith.constant 3 : i32
          %shift_left3A_656 = vector.broadcast %shift_left3A_655 : i32 to vector<16xi32>
          %shift_left3A_657 = arith.shli %and3A_654, %shift_left3A_656 : vector<16xi32>
          %add3A_658 = arith.constant 6 : i32
          %add3A_659 = vector.broadcast %add3A_658 : i32 to vector<16xi32>
          %add3A_660 = arith.addi %shift_left3A_657, %add3A_659 : vector<16xi32>
          %max3A = arith.maxsi %broadcast_in_dim3A_5, %add3A_660 : vector<16xi32>
          %shift_right_arithmetic3A_661 = arith.constant 8 : i32
          %shift_right_arithmetic3A_662 = vector.broadcast %shift_right_arithmetic3A_661 : i32 to vector<16xi32>
          %shift_right_arithmetic3A_663 = arith.shrsi %add3A_635, %shift_right_arithmetic3A_662 : vector<16xi32>
          %and3A_664 = arith.constant 255 : i32
          %and3A_665 = vector.broadcast %and3A_664 : i32 to vector<16xi32>
          %and3A_666 = arith.andi %shift_right_arithmetic3A_663, %and3A_665 : vector<16xi32>
          %shift_left3A_667 = arith.constant 3 : i32
          %shift_left3A_668 = vector.broadcast %shift_left3A_667 : i32 to vector<16xi32>
          %shift_left3A_669 = arith.shli %and3A_666, %shift_left3A_668 : vector<16xi32>
          %add3A_670 = arith.constant 5 : i32
          %add3A_671 = vector.broadcast %add3A_670 : i32 to vector<16xi32>
          %add3A_672 = arith.addi %shift_left3A_669, %add3A_671 : vector<16xi32>
          %max3A_673 = arith.maxsi %max3A, %add3A_672 : vector<16xi32>
          %shift_right_arithmetic3A_674 = arith.constant 8 : i32
          %shift_right_arithmetic3A_675 = vector.broadcast %shift_right_arithmetic3A_674 : i32 to vector<16xi32>
          %shift_right_arithmetic3A_676 = arith.shrsi %add3A_648, %shift_right_arithmetic3A_675 : vector<16xi32>
          %and3A_677 = arith.constant 255 : i32
          %and3A_678 = vector.broadcast %and3A_677 : i32 to vector<16xi32>
          %and3A_679 = arith.andi %shift_right_arithmetic3A_676, %and3A_678 : vector<16xi32>
          %shift_left3A_680 = arith.constant 3 : i32
          %shift_left3A_681 = vector.broadcast %shift_left3A_680 : i32 to vector<16xi32>
          %shift_left3A_682 = arith.shli %and3A_679, %shift_left3A_681 : vector<16xi32>
          %add3A_683 = arith.constant 4 : i32
          %add3A_684 = vector.broadcast %add3A_683 : i32 to vector<16xi32>
          %add3A_685 = arith.addi %shift_left3A_682, %add3A_684 : vector<16xi32>
          %max3A_686 = arith.maxsi %max3A_673, %add3A_685 : vector<16xi32>
          %shift_right_arithmetic3A_687 = arith.constant 16 : i32
          %shift_right_arithmetic3A_688 = vector.broadcast %shift_right_arithmetic3A_687 : i32 to vector<16xi32>
          %shift_right_arithmetic3A_689 = arith.shrsi %add3A_635, %shift_right_arithmetic3A_688 : vector<16xi32>
          %and3A_690 = arith.constant 255 : i32
          %and3A_691 = vector.broadcast %and3A_690 : i32 to vector<16xi32>
          %and3A_692 = arith.andi %shift_right_arithmetic3A_689, %and3A_691 : vector<16xi32>
          %shift_left3A_693 = arith.constant 3 : i32
          %shift_left3A_694 = vector.broadcast %shift_left3A_693 : i32 to vector<16xi32>
          %shift_left3A_695 = arith.shli %and3A_692, %shift_left3A_694 : vector<16xi32>
          %add3A_696 = arith.constant 3 : i32
          %add3A_697 = vector.broadcast %add3A_696 : i32 to vector<16xi32>
          %add3A_698 = arith.addi %shift_left3A_695, %add3A_697 : vector<16xi32>
          %max3A_699 = arith.maxsi %max3A_686, %add3A_698 : vector<16xi32>
          %shift_right_arithmetic3A_700 = arith.constant 16 : i32
          %shift_right_arithmetic3A_701 = vector.broadcast %shift_right_arithmetic3A_700 : i32 to vector<16xi32>
          %shift_right_arithmetic3A_702 = arith.shrsi %add3A_648, %shift_right_arithmetic3A_701 : vector<16xi32>
          %and3A_703 = arith.constant 255 : i32
          %and3A_704 = vector.broadcast %and3A_703 : i32 to vector<16xi32>
          %and3A_705 = arith.andi %shift_right_arithmetic3A_702, %and3A_704 : vector<16xi32>
          %shift_left3A_706 = arith.constant 3 : i32
          %shift_left3A_707 = vector.broadcast %shift_left3A_706 : i32 to vector<16xi32>
          %shift_left3A_708 = arith.shli %and3A_705, %shift_left3A_707 : vector<16xi32>
          %add3A_709 = arith.constant 2 : i32
          %add3A_710 = vector.broadcast %add3A_709 : i32 to vector<16xi32>
          %add3A_711 = arith.addi %shift_left3A_708, %add3A_710 : vector<16xi32>
          %max3A_712 = arith.maxsi %max3A_699, %add3A_711 : vector<16xi32>
          %shift_right_arithmetic3A_713 = arith.constant 24 : i32
          %shift_right_arithmetic3A_714 = vector.broadcast %shift_right_arithmetic3A_713 : i32 to vector<16xi32>
          %shift_right_arithmetic3A_715 = arith.shrsi %add3A_635, %shift_right_arithmetic3A_714 : vector<16xi32>
          %and3A_716 = arith.constant 255 : i32
          %and3A_717 = vector.broadcast %and3A_716 : i32 to vector<16xi32>
          %and3A_718 = arith.andi %shift_right_arithmetic3A_715, %and3A_717 : vector<16xi32>
          %shift_left3A_719 = arith.constant 3 : i32
          %shift_left3A_720 = vector.broadcast %shift_left3A_719 : i32 to vector<16xi32>
          %shift_left3A_721 = arith.shli %and3A_718, %shift_left3A_720 : vector<16xi32>
          %add3A_722 = arith.constant 1 : i32
          %add3A_723 = vector.broadcast %add3A_722 : i32 to vector<16xi32>
          %add3A_724 = arith.addi %shift_left3A_721, %add3A_723 : vector<16xi32>
          %max3A_725 = arith.maxsi %max3A_712, %add3A_724 : vector<16xi32>
          %shift_right_arithmetic3A_726 = arith.constant 24 : i32
          %shift_right_arithmetic3A_727 = vector.broadcast %shift_right_arithmetic3A_726 : i32 to vector<16xi32>
          %shift_right_arithmetic3A_728 = arith.shrsi %add3A_648, %shift_right_arithmetic3A_727 : vector<16xi32>
          %and3A_729 = arith.constant 255 : i32
          %and3A_730 = vector.broadcast %and3A_729 : i32 to vector<16xi32>
          %and3A_731 = arith.andi %shift_right_arithmetic3A_728, %and3A_730 : vector<16xi32>
          %shift_left3A_732 = arith.constant 3 : i32
          %shift_left3A_733 = vector.broadcast %shift_left3A_732 : i32 to vector<16xi32>
          %shift_left3A_734 = arith.shli %and3A_731, %shift_left3A_733 : vector<16xi32>
          %add3A_735 = arith.constant 0 : i32
          %add3A_736 = vector.broadcast %add3A_735 : i32 to vector<16xi32>
          %add3A_737 = arith.addi %shift_left3A_734, %add3A_736 : vector<16xi32>
          %max3A_738 = arith.maxsi %max3A_725, %add3A_737 : vector<16xi32>
          %and3A_739 = arith.constant 7 : i32
          %and3A_740 = vector.broadcast %and3A_739 : i32 to vector<16xi32>
          %and3A_741 = arith.andi %max3A_738, %and3A_740 : vector<16xi32>
          %sub3A_742 = arith.constant 7 : i32
          %sub3A_743 = vector.broadcast %sub3A_742 : i32 to vector<16xi32>
          %sub3A_744 = arith.subi %sub3A_743, %and3A_741 : vector<16xi32>
          %mul3A_745 = arith.constant 16 : i32
          %mul3A_746 = arith.muli %scan3A_177, %mul3A_745 : i32
          %swap3A = arith.index_cast %mul3A_160 : i32 to index
          %swap3A_747 = arith.index_cast %mul3A_746 : i32 to index
          %swap3A_748 = tpu.vector_load %arg6[%swap3A, %swap3A_747] {strides = array<i32>} : memref<16x128xi32, #tpu.memory_space<vmem>>, vector<16xi32>,
          tpu.vector_store %arg6[%swap3A, %swap3A_747], %sub3A_744 {strides = array<i32>} : memref<16x128xi32, #tpu.memory_space<vmem>>, vector<16xi32>,
        }
        %scan3A_166 = arith.constant 8 : i32
        %eq3A_167 = arith.constant 0 : i32
        %eq3A_168 = arith.cmpi eq, %and3A_112, %eq3A_167 : i32
        %convert_element_type3A_169 = arith.extui %eq3A_168 : i1 to i32
        %cond3A_170 = arith.constant 0 : i32
        %cond3A_171 = arith.cmpi ne, %convert_element_type3A_169, %cond3A_170 : i32
        scf.if %cond3A_171 {
          %mul3A_177 = arith.constant 32 : i32
          %mul3A_178 = arith.muli %scan3A_108, %mul3A_177 : i32
          %add3A_179 = arith.addi %mul3A_178, %add3A : i32
          %mul3A_180 = arith.constant 128 : i32
          %mul3A_181 = arith.muli %add3A_179, %mul3A_180 : i32
          %dma_start3A_182 = arith.constant 0 : i32
          %dma_start3A_183 = arith.constant 0 : i32
          %dma_start3A_184 = tpu.memref_slice %arg6[%dma_start3A_182, %dma_start3A_183] : memref<16x128xi32, #tpu.memory_space<vmem>> -> memref<1x128xi32, #tpu.memory_space<vmem>>
          %dma_start3A_185 = tpu.memref_squeeze %dma_start3A_184 : memref<1x128xi32, #tpu.memory_space<vmem>> -> memref<128xi32, #tpu.memory_space<vmem>>
          %dma_start3A_186 = tpu.memref_slice %arg3[%mul3A_181] : memref<50000xi32, #tpu.memory_space<hbm>> -> memref<128xi32, #tpu.memory_space<hbm>>
          %dma_start3A_187 = tpu.memref_slice %arg3[%mul3A_181] : memref<50000xi32, #tpu.memory_space<hbm>> -> memref<128xi32, #tpu.memory_space<hbm>>
          %dma_start3A_188 = arith.constant 0 : i32
          %dma_start3A_189 = tpu.memref_slice %arg6[%dma_start3A_182, %dma_start3A_188] : memref<16x128xi32, #tpu.memory_space<vmem>> -> memref<1x128xi32, #tpu.memory_space<vmem>>
          %dma_start3A_190 = tpu.memref_squeeze %dma_start3A_189 : memref<1x128xi32, #tpu.memory_space<vmem>> -> memref<128xi32, #tpu.memory_space<vmem>>
          tpu.enqueue_dma source(%dma_start3A_190 : memref<128xi32, #tpu.memory_space<vmem>>) target(%dma_start3A_187 : memref<128xi32, #tpu.memory_space<hbm>>) target_semaphore(%arg11 : memref<!tpu.dma_semaphore, #tpu.memory_space<semaphore_mem>>)
        } else {
        }
        %eq3A_172 = arith.constant 1 : i32
        %eq3A_173 = arith.cmpi eq, %and3A_112, %eq3A_172 : i32
        %convert_element_type3A_174 = arith.extui %eq3A_173 : i1 to i32
        %cond3A_175 = arith.constant 0 : i32
        %cond3A_176 = arith.cmpi ne, %convert_element_type3A_174, %cond3A_175 : i32
        scf.if %cond3A_176 {
          %mul3A_177 = arith.constant 32 : i32
          %mul3A_178 = arith.muli %scan3A_108, %mul3A_177 : i32
          %add3A_179 = arith.addi %mul3A_178, %add3A : i32
          %mul3A_180 = arith.constant 128 : i32
          %mul3A_181 = arith.muli %add3A_179, %mul3A_180 : i32
          %dma_start3A_182 = arith.constant 8 : i32
          %dma_start3A_183 = arith.constant 0 : i32
          %dma_start3A_184 = tpu.memref_slice %arg6[%dma_start3A_182, %dma_start3A_183] : memref<16x128xi32, #tpu.memory_space<vmem>> -> memref<1x128xi32, #tpu.memory_space<vmem>>
          %dma_start3A_185 = tpu.memref_squeeze %dma_start3A_184 : memref<1x128xi32, #tpu.memory_space<vmem>> -> memref<128xi32, #tpu.memory_space<vmem>>
          %dma_start3A_186 = tpu.memref_slice %arg3[%mul3A_181] : memref<50000xi32, #tpu.memory_space<hbm>> -> memref<128xi32, #tpu.memory_space<hbm>>
          %dma_start3A_187 = tpu.memref_slice %arg3[%mul3A_181] : memref<50000xi32, #tpu.memory_space<hbm>> -> memref<128xi32, #tpu.memory_space<hbm>>
          %dma_start3A_188 = arith.constant 0 : i32
          %dma_start3A_189 = tpu.memref_slice %arg6[%dma_start3A_182, %dma_start3A_188] : memref<16x128xi32, #tpu.memory_space<vmem>> -> memref<1x128xi32, #tpu.memory_space<vmem>>
          %dma_start3A_190 = tpu.memref_squeeze %dma_start3A_189 : memref<1x128xi32, #tpu.memory_space<vmem>> -> memref<128xi32, #tpu.memory_space<vmem>>
          tpu.enqueue_dma source(%dma_start3A_190 : memref<128xi32, #tpu.memory_space<vmem>>) target(%dma_start3A_187 : memref<128xi32, #tpu.memory_space<hbm>>) target_semaphore(%arg12 : memref<!tpu.dma_semaphore, #tpu.memory_space<semaphore_mem>>)
        } else {
        }
      } else {
      }
    }
    %scan3A_62 = arith.constant 13 : i32
    %add3A_63 = arith.constant 384 : i32
    %add3A_64 = arith.addi %add3A_63, %add3A : i32
    %lt3A = arith.constant 390 : i32
    %lt3A_65 = arith.cmpi slt, %add3A_64, %lt3A : i32
    %jit3A = arith.constant 13 : i32
    %jit3A_66 = arith.constant 12 : i32
    %select_n3A = arith.select %lt3A_65, %jit3A, %jit3A_66 : i32
    %sub3A = arith.constant 2 : i32
    %sub3A_67 = arith.subi %select_n3A, %sub3A : i32
    %add3A_68 = arith.constant 0 : i32
    %add3A_69 = arith.addi %select_n3A, %add3A_68 : i32
    %and3A = arith.constant 1 : i32
    %and3A_70 = arith.andi %add3A_69, %and3A : i32
    %add3A_71 = arith.addi %sub3A_67, %and3A_70 : i32
    %mul3A_72 = arith.constant 32 : i32
    %mul3A_73 = arith.muli %add3A_71, %mul3A_72 : i32
    %add3A_74 = arith.addi %mul3A_73, %add3A : i32
    %mul3A_75 = arith.constant 128 : i32
    %mul3A_76 = arith.muli %add3A_74, %mul3A_75 : i32
    %dma_wait3A = arith.constant 0 : i32
    %dma_wait3A_77 = arith.constant 0 : i32
    %dma_wait3A_78 = tpu.memref_slice %arg6[%dma_wait3A, %dma_wait3A_77] : memref<16x128xi32, #tpu.memory_space<vmem>> -> memref<1x128xi32, #tpu.memory_space<vmem>>
    %dma_wait3A_79 = tpu.memref_squeeze %dma_wait3A_78 : memref<1x128xi32, #tpu.memory_space<vmem>> -> memref<128xi32, #tpu.memory_space<vmem>>
    %dma_wait3A_80 = tpu.memref_slice %arg3[%mul3A_76] : memref<50000xi32, #tpu.memory_space<hbm>> -> memref<128xi32, #tpu.memory_space<hbm>>
    %dma_wait3A_81 = tpu.memref_slice %arg3[%mul3A_76] : memref<50000xi32, #tpu.memory_space<hbm>> -> memref<128xi32, #tpu.memory_space<hbm>>
    %dma_wait3A_82 = arith.constant 0 : i32
    %dma_wait3A_83 = tpu.memref_slice %arg6[%dma_wait3A, %dma_wait3A_82] : memref<16x128xi32, #tpu.memory_space<vmem>> -> memref<1x128xi32, #tpu.memory_space<vmem>>
    %dma_wait3A_84 = tpu.memref_squeeze %dma_wait3A_83 : memref<1x128xi32, #tpu.memory_space<vmem>> -> memref<128xi32, #tpu.memory_space<vmem>>
    tpu.wait_dma2 semaphore(%arg11 : memref<!tpu.dma_semaphore, #tpu.memory_space<semaphore_mem>>) src(%dma_wait3A_84 : memref<128xi32, #tpu.memory_space<vmem>>) dst(%dma_wait3A_81 : memref<128xi32, #tpu.memory_space<hbm>>)
    %sub3A_85 = arith.constant 2 : i32
    %sub3A_86 = arith.subi %select_n3A, %sub3A_85 : i32
    %add3A_87 = arith.constant 1 : i32
    %add3A_88 = arith.addi %select_n3A, %add3A_87 : i32
    %and3A_89 = arith.constant 1 : i32
    %and3A_90 = arith.andi %add3A_88, %and3A_89 : i32
    %add3A_91 = arith.addi %sub3A_86, %and3A_90 : i32
    %mul3A_92 = arith.constant 32 : i32
    %mul3A_93 = arith.muli %add3A_91, %mul3A_92 : i32
    %add3A_94 = arith.addi %mul3A_93, %add3A : i32
    %mul3A_95 = arith.constant 128 : i32
    %mul3A_96 = arith.muli %add3A_94, %mul3A_95 : i32
    %dma_wait3A_97 = arith.constant 8 : i32
    %dma_wait3A_98 = arith.constant 0 : i32
    %dma_wait3A_99 = tpu.memref_slice %arg6[%dma_wait3A_97, %dma_wait3A_98] : memref<16x128xi32, #tpu.memory_space<vmem>> -> memref<1x128xi32, #tpu.memory_space<vmem>>
    %dma_wait3A_100 = tpu.memref_squeeze %dma_wait3A_99 : memref<1x128xi32, #tpu.memory_space<vmem>> -> memref<128xi32, #tpu.memory_space<vmem>>
    %dma_wait3A_101 = tpu.memref_slice %arg3[%mul3A_96] : memref<50000xi32, #tpu.memory_space<hbm>> -> memref<128xi32, #tpu.memory_space<hbm>>
    %dma_wait3A_102 = tpu.memref_slice %arg3[%mul3A_96] : memref<50000xi32, #tpu.memory_space<hbm>> -> memref<128xi32, #tpu.memory_space<hbm>>
    %dma_wait3A_103 = arith.constant 0 : i32
    %dma_wait3A_104 = tpu.memref_slice %arg6[%dma_wait3A_97, %dma_wait3A_103] : memref<16x128xi32, #tpu.memory_space<vmem>> -> memref<1x128xi32, #tpu.memory_space<vmem>>
    %dma_wait3A_105 = tpu.memref_squeeze %dma_wait3A_104 : memref<1x128xi32, #tpu.memory_space<vmem>> -> memref<128xi32, #tpu.memory_space<vmem>>
    tpu.wait_dma2 semaphore(%arg12 : memref<!tpu.dma_semaphore, #tpu.memory_space<semaphore_mem>>) src(%dma_wait3A_105 : memref<128xi32, #tpu.memory_space<vmem>>) dst(%dma_wait3A_102 : memref<128xi32, #tpu.memory_space<hbm>>)
    %eq3A = arith.constant 31 : i32
    %eq3A_106 = arith.cmpi eq, %add3A, %eq3A : i32
    %convert_element_type3A = arith.extui %eq3A_106 : i1 to i32
    %cond3A = arith.constant 0 : i32
    %cond3A_107 = arith.cmpi ne, %convert_element_type3A, %cond3A : i32
    scf.if %cond3A_107 {
      %run_scoped3A = arith.constant 7 : i32
      "tpu.region"() ({
        %run_scoped3A_115 = tpu.sem_alloc : memref<!tpu.dma_semaphore, #tpu.memory_space<semaphore_mem>>
        %dma_start3A_116 = arith.constant 0 : i32
        %dma_start3A_117 = arith.constant 49920 : i32
        %dma_start3A_118 = tpu.memref_slice %arg2[%dma_start3A_116, %run_scoped3A, %dma_start3A_117] : memref<35x8x50000xf32, #tpu.memory_space<hbm>> -> memref<35x1x80xf32, #tpu.memory_space<hbm>>
        %dma_start3A_119 = tpu.memref_squeeze %dma_start3A_118 : memref<35x1x80xf32, #tpu.memory_space<hbm>> -> memref<35x80xf32, #tpu.memory_space<hbm>>
        %dma_start3A_120 = arith.constant 0 : i32
        %dma_start3A_121 = arith.constant 49920 : i32
        %dma_start3A_122 = tpu.memref_slice %arg2[%dma_start3A_120, %run_scoped3A, %dma_start3A_121] : memref<35x8x50000xf32, #tpu.memory_space<hbm>> -> memref<35x1x80xf32, #tpu.memory_space<hbm>>
        %dma_start3A_123 = tpu.memref_squeeze %dma_start3A_122 : memref<35x1x80xf32, #tpu.memory_space<hbm>> -> memref<35x80xf32, #tpu.memory_space<hbm>>
        tpu.enqueue_dma source(%dma_start3A_123 : memref<35x80xf32, #tpu.memory_space<hbm>>) target(%arg5 : memref<35x80xf32, #tpu.memory_space<vmem>>) target_semaphore(%run_scoped3A_115 : memref<!tpu.dma_semaphore, #tpu.memory_space<semaphore_mem>>)
        %dma_wait3A_124 = arith.constant 0 : i32
        %dma_wait3A_125 = arith.constant 49920 : i32
        %dma_wait3A_126 = tpu.memref_slice %arg2[%dma_wait3A_124, %run_scoped3A, %dma_wait3A_125] : memref<35x8x50000xf32, #tpu.memory_space<hbm>> -> memref<35x1x80xf32, #tpu.memory_space<hbm>>
        %dma_wait3A_127 = tpu.memref_squeeze %dma_wait3A_126 : memref<35x1x80xf32, #tpu.memory_space<hbm>> -> memref<35x80xf32, #tpu.memory_space<hbm>>
        %dma_wait3A_128 = arith.constant 0 : i32
        %dma_wait3A_129 = arith.constant 49920 : i32
        %dma_wait3A_130 = tpu.memref_slice %arg2[%dma_wait3A_128, %run_scoped3A, %dma_wait3A_129] : memref<35x8x50000xf32, #tpu.memory_space<hbm>> -> memref<35x1x80xf32, #tpu.memory_space<hbm>>
        %dma_wait3A_131 = tpu.memref_squeeze %dma_wait3A_130 : memref<35x1x80xf32, #tpu.memory_space<hbm>> -> memref<35x80xf32, #tpu.memory_space<hbm>>
        tpu.wait_dma2 semaphore(%run_scoped3A_115 : memref<!tpu.dma_semaphore, #tpu.memory_space<semaphore_mem>>) src(%dma_wait3A_131 : memref<35x80xf32, #tpu.memory_space<hbm>>) dst(%arg5 : memref<35x80xf32, #tpu.memory_space<vmem>>)
        tpu.yield
      }) : () -> ()
      %scan3A_108 = arith.constant 0 : i32
      %scan3A_109 = arith.constant 0 : i32
      %scan3A_110 = arith.constant 5 : i32
      %scan3A_111 = arith.addi %scan3A_109, %scan3A_110 : i32
      %scan3A_112 = arith.constant 1 : i32
      scf.for %scan3A_115 = %scan3A_109 to %scan3A_111 step %scan3A_112  : i32 {
        %mul3A_116 = arith.constant 16 : i32
        %mul3A_117 = arith.muli %scan3A_115, %mul3A_116 : i32
        %get3A = arith.constant 0 : i32
        %get3A_118 = arith.index_cast %get3A : i32 to index
        %get3A_119 = arith.index_cast %mul3A_117 : i32 to index
        %get3A_120 = tpu.vector_load %arg5[%get3A_118, %get3A_119] {strides = array<i32>} : memref<35x80xf32, #tpu.memory_space<vmem>>, vector<16xf32>,
        %convert_element_type3A_121 = arith.fptosi %get3A_120 : vector<16xf32> to vector<16xi32>
        %shift_left3A = arith.constant 2 : i32
        %shift_left3A_122 = vector.broadcast %shift_left3A : i32 to vector<16xi32>
        %shift_left3A_123 = arith.shli %convert_element_type3A_121, %shift_left3A_122 : vector<16xi32>
        %shift_left3A_124 = arith.shli %broadcast_in_dim3A_3, %shift_left3A_123 : vector<16xi32>
        %add3A_125 = arith.addi %broadcast_in_dim3A_1, %shift_left3A_124 : vector<16xi32>
        %mul3A_126 = arith.constant 16 : i32
        %mul3A_127 = arith.muli %scan3A_115, %mul3A_126 : i32
        %get3A_128 = arith.constant 1 : i32
        %get3A_129 = arith.index_cast %get3A_128 : i32 to index
        %get3A_130 = arith.index_cast %mul3A_127 : i32 to index
        %get3A_131 = tpu.vector_load %arg5[%get3A_129, %get3A_130] {strides = array<i32>} : memref<35x80xf32, #tpu.memory_space<vmem>>, vector<16xf32>,
        %convert_element_type3A_132 = arith.fptosi %get3A_131 : vector<16xf32> to vector<16xi32>
        %shift_left3A_133 = arith.constant 2 : i32
        %shift_left3A_134 = vector.broadcast %shift_left3A_133 : i32 to vector<16xi32>
        %shift_left3A_135 = arith.shli %convert_element_type3A_132, %shift_left3A_134 : vector<16xi32>
        %shift_left3A_136 = arith.shli %broadcast_in_dim3A_3, %shift_left3A_135 : vector<16xi32>
        %add3A_137 = arith.addi %add3A_125, %shift_left3A_136 : vector<16xi32>
        %mul3A_138 = arith.constant 16 : i32
        %mul3A_139 = arith.muli %scan3A_115, %mul3A_138 : i32
        %get3A_140 = arith.constant 2 : i32
        %get3A_141 = arith.index_cast %get3A_140 : i32 to index
        %get3A_142 = arith.index_cast %mul3A_139 : i32 to index
        %get3A_143 = tpu.vector_load %arg5[%get3A_141, %get3A_142] {strides = array<i32>} : memref<35x80xf32, #tpu.memory_space<vmem>>, vector<16xf32>,
        %convert_element_type3A_144 = arith.fptosi %get3A_143 : vector<16xf32> to vector<16xi32>
        %shift_left3A_145 = arith.constant 2 : i32
        %shift_left3A_146 = vector.broadcast %shift_left3A_145 : i32 to vector<16xi32>
        %shift_left3A_147 = arith.shli %convert_element_type3A_144, %shift_left3A_146 : vector<16xi32>
        %shift_left3A_148 = arith.shli %broadcast_in_dim3A_3, %shift_left3A_147 : vector<16xi32>
        %add3A_149 = arith.addi %add3A_137, %shift_left3A_148 : vector<16xi32>
        %mul3A_150 = arith.constant 16 : i32
        %mul3A_151 = arith.muli %scan3A_115, %mul3A_150 : i32
        %get3A_152 = arith.constant 3 : i32
        %get3A_153 = arith.index_cast %get3A_152 : i32 to index
        %get3A_154 = arith.index_cast %mul3A_151 : i32 to index
        %get3A_155 = tpu.vector_load %arg5[%get3A_153, %get3A_154] {strides = array<i32>} : memref<35x80xf32, #tpu.memory_space<vmem>>, vector<16xf32>,
        %convert_element_type3A_156 = arith.fptosi %get3A_155 : vector<16xf32> to vector<16xi32>
        %shift_left3A_157 = arith.constant 2 : i32
        %shift_left3A_158 = vector.broadcast %shift_left3A_157 : i32 to vector<16xi32>
        %shift_left3A_159 = arith.shli %convert_element_type3A_156, %shift_left3A_158 : vector<16xi32>
        %shift_left3A_160 = arith.shli %broadcast_in_dim3A_3, %shift_left3A_159 : vector<16xi32>
        %add3A_161 = arith.addi %add3A_149, %shift_left3A_160 : vector<16xi32>
        %mul3A_162 = arith.constant 16 : i32
        %mul3A_163 = arith.muli %scan3A_115, %mul3A_162 : i32
        %get3A_164 = arith.constant 4 : i32
        %get3A_165 = arith.index_cast %get3A_164 : i32 to index
        %get3A_166 = arith.index_cast %mul3A_163 : i32 to index
        %get3A_167 = tpu.vector_load %arg5[%get3A_165, %get3A_166] {strides = array<i32>} : memref<35x80xf32, #tpu.memory_space<vmem>>, vector<16xf32>,
        %convert_element_type3A_168 = arith.fptosi %get3A_167 : vector<16xf32> to vector<16xi32>
        %shift_left3A_169 = arith.constant 2 : i32
        %shift_left3A_170 = vector.broadcast %shift_left3A_169 : i32 to vector<16xi32>
        %shift_left3A_171 = arith.shli %convert_element_type3A_168, %shift_left3A_170 : vector<16xi32>
        %shift_left3A_172 = arith.shli %broadcast_in_dim3A_3, %shift_left3A_171 : vector<16xi32>
        %add3A_173 = arith.addi %add3A_161, %shift_left3A_172 : vector<16xi32>
        %mul3A_174 = arith.constant 16 : i32
        %mul3A_175 = arith.muli %scan3A_115, %mul3A_174 : i32
        %get3A_176 = arith.constant 5 : i32
        %get3A_177 = arith.index_cast %get3A_176 : i32 to index
        %get3A_178 = arith.index_cast %mul3A_175 : i32 to index
        %get3A_179 = tpu.vector_load %arg5[%get3A_177, %get3A_178] {strides = array<i32>} : memref<35x80xf32, #tpu.memory_space<vmem>>, vector<16xf32>,
        %convert_element_type3A_180 = arith.fptosi %get3A_179 : vector<16xf32> to vector<16xi32>
        %shift_left3A_181 = arith.constant 2 : i32
        %shift_left3A_182 = vector.broadcast %shift_left3A_181 : i32 to vector<16xi32>
        %shift_left3A_183 = arith.shli %convert_element_type3A_180, %shift_left3A_182 : vector<16xi32>
        %shift_left3A_184 = arith.shli %broadcast_in_dim3A_3, %shift_left3A_183 : vector<16xi32>
        %add3A_185 = arith.addi %add3A_173, %shift_left3A_184 : vector<16xi32>
        %mul3A_186 = arith.constant 16 : i32
        %mul3A_187 = arith.muli %scan3A_115, %mul3A_186 : i32
        %get3A_188 = arith.constant 6 : i32
        %get3A_189 = arith.index_cast %get3A_188 : i32 to index
        %get3A_190 = arith.index_cast %mul3A_187 : i32 to index
        %get3A_191 = tpu.vector_load %arg5[%get3A_189, %get3A_190] {strides = array<i32>} : memref<35x80xf32, #tpu.memory_space<vmem>>, vector<16xf32>,
        %convert_element_type3A_192 = arith.fptosi %get3A_191 : vector<16xf32> to vector<16xi32>
        %shift_left3A_193 = arith.constant 2 : i32
        %shift_left3A_194 = vector.broadcast %shift_left3A_193 : i32 to vector<16xi32>
        %shift_left3A_195 = arith.shli %convert_element_type3A_192, %shift_left3A_194 : vector<16xi32>
        %shift_left3A_196 = arith.shli %broadcast_in_dim3A_3, %shift_left3A_195 : vector<16xi32>
        %add3A_197 = arith.addi %add3A_185, %shift_left3A_196 : vector<16xi32>
        %mul3A_198 = arith.constant 16 : i32
        %mul3A_199 = arith.muli %scan3A_115, %mul3A_198 : i32
        %get3A_200 = arith.constant 7 : i32
        %get3A_201 = arith.index_cast %get3A_200 : i32 to index
        %get3A_202 = arith.index_cast %mul3A_199 : i32 to index
        %get3A_203 = tpu.vector_load %arg5[%get3A_201, %get3A_202] {strides = array<i32>} : memref<35x80xf32, #tpu.memory_space<vmem>>, vector<16xf32>,
        %convert_element_type3A_204 = arith.fptosi %get3A_203 : vector<16xf32> to vector<16xi32>
        %shift_left3A_205 = arith.constant 2 : i32
        %shift_left3A_206 = vector.broadcast %shift_left3A_205 : i32 to vector<16xi32>
        %shift_left3A_207 = arith.shli %convert_element_type3A_204, %shift_left3A_206 : vector<16xi32>
        %shift_left3A_208 = arith.shli %broadcast_in_dim3A_3, %shift_left3A_207 : vector<16xi32>
        %add3A_209 = arith.addi %add3A_197, %shift_left3A_208 : vector<16xi32>
        %mul3A_210 = arith.constant 16 : i32
        %mul3A_211 = arith.muli %scan3A_115, %mul3A_210 : i32
        %get3A_212 = arith.constant 8 : i32
        %get3A_213 = arith.index_cast %get3A_212 : i32 to index
        %get3A_214 = arith.index_cast %mul3A_211 : i32 to index
        %get3A_215 = tpu.vector_load %arg5[%get3A_213, %get3A_214] {strides = array<i32>} : memref<35x80xf32, #tpu.memory_space<vmem>>, vector<16xf32>,
        %convert_element_type3A_216 = arith.fptosi %get3A_215 : vector<16xf32> to vector<16xi32>
        %shift_left3A_217 = arith.constant 2 : i32
        %shift_left3A_218 = vector.broadcast %shift_left3A_217 : i32 to vector<16xi32>
        %shift_left3A_219 = arith.shli %convert_element_type3A_216, %shift_left3A_218 : vector<16xi32>
        %shift_left3A_220 = arith.shli %broadcast_in_dim3A_3, %shift_left3A_219 : vector<16xi32>
        %add3A_221 = arith.addi %add3A_209, %shift_left3A_220 : vector<16xi32>
        %mul3A_222 = arith.constant 16 : i32
        %mul3A_223 = arith.muli %scan3A_115, %mul3A_222 : i32
        %get3A_224 = arith.constant 9 : i32
        %get3A_225 = arith.index_cast %get3A_224 : i32 to index
        %get3A_226 = arith.index_cast %mul3A_223 : i32 to index
        %get3A_227 = tpu.vector_load %arg5[%get3A_225, %get3A_226] {strides = array<i32>} : memref<35x80xf32, #tpu.memory_space<vmem>>, vector<16xf32>,
        %convert_element_type3A_228 = arith.fptosi %get3A_227 : vector<16xf32> to vector<16xi32>
        %shift_left3A_229 = arith.constant 2 : i32
        %shift_left3A_230 = vector.broadcast %shift_left3A_229 : i32 to vector<16xi32>
        %shift_left3A_231 = arith.shli %convert_element_type3A_228, %shift_left3A_230 : vector<16xi32>
        %shift_left3A_232 = arith.shli %broadcast_in_dim3A_3, %shift_left3A_231 : vector<16xi32>
        %add3A_233 = arith.addi %add3A_221, %shift_left3A_232 : vector<16xi32>
        %mul3A_234 = arith.constant 16 : i32
        %mul3A_235 = arith.muli %scan3A_115, %mul3A_234 : i32
        %get3A_236 = arith.constant 10 : i32
        %get3A_237 = arith.index_cast %get3A_236 : i32 to index
        %get3A_238 = arith.index_cast %mul3A_235 : i32 to index
        %get3A_239 = tpu.vector_load %arg5[%get3A_237, %get3A_238] {strides = array<i32>} : memref<35x80xf32, #tpu.memory_space<vmem>>, vector<16xf32>,
        %convert_element_type3A_240 = arith.fptosi %get3A_239 : vector<16xf32> to vector<16xi32>
        %shift_left3A_241 = arith.constant 2 : i32
        %shift_left3A_242 = vector.broadcast %shift_left3A_241 : i32 to vector<16xi32>
        %shift_left3A_243 = arith.shli %convert_element_type3A_240, %shift_left3A_242 : vector<16xi32>
        %shift_left3A_244 = arith.shli %broadcast_in_dim3A_3, %shift_left3A_243 : vector<16xi32>
        %add3A_245 = arith.addi %add3A_233, %shift_left3A_244 : vector<16xi32>
        %mul3A_246 = arith.constant 16 : i32
        %mul3A_247 = arith.muli %scan3A_115, %mul3A_246 : i32
        %get3A_248 = arith.constant 11 : i32
        %get3A_249 = arith.index_cast %get3A_248 : i32 to index
        %get3A_250 = arith.index_cast %mul3A_247 : i32 to index
        %get3A_251 = tpu.vector_load %arg5[%get3A_249, %get3A_250] {strides = array<i32>} : memref<35x80xf32, #tpu.memory_space<vmem>>, vector<16xf32>,
        %convert_element_type3A_252 = arith.fptosi %get3A_251 : vector<16xf32> to vector<16xi32>
        %shift_left3A_253 = arith.constant 2 : i32
        %shift_left3A_254 = vector.broadcast %shift_left3A_253 : i32 to vector<16xi32>
        %shift_left3A_255 = arith.shli %convert_element_type3A_252, %shift_left3A_254 : vector<16xi32>
        %shift_left3A_256 = arith.shli %broadcast_in_dim3A_3, %shift_left3A_255 : vector<16xi32>
        %add3A_257 = arith.addi %add3A_245, %shift_left3A_256 : vector<16xi32>
        %mul3A_258 = arith.constant 16 : i32
        %mul3A_259 = arith.muli %scan3A_115, %mul3A_258 : i32
        %get3A_260 = arith.constant 12 : i32
        %get3A_261 = arith.index_cast %get3A_260 : i32 to index
        %get3A_262 = arith.index_cast %mul3A_259 : i32 to index
        %get3A_263 = tpu.vector_load %arg5[%get3A_261, %get3A_262] {strides = array<i32>} : memref<35x80xf32, #tpu.memory_space<vmem>>, vector<16xf32>,
        %convert_element_type3A_264 = arith.fptosi %get3A_263 : vector<16xf32> to vector<16xi32>
        %shift_left3A_265 = arith.constant 2 : i32
        %shift_left3A_266 = vector.broadcast %shift_left3A_265 : i32 to vector<16xi32>
        %shift_left3A_267 = arith.shli %convert_element_type3A_264, %shift_left3A_266 : vector<16xi32>
        %shift_left3A_268 = arith.shli %broadcast_in_dim3A_3, %shift_left3A_267 : vector<16xi32>
        %add3A_269 = arith.addi %add3A_257, %shift_left3A_268 : vector<16xi32>
        %mul3A_270 = arith.constant 16 : i32
        %mul3A_271 = arith.muli %scan3A_115, %mul3A_270 : i32
        %get3A_272 = arith.constant 13 : i32
        %get3A_273 = arith.index_cast %get3A_272 : i32 to index
        %get3A_274 = arith.index_cast %mul3A_271 : i32 to index
        %get3A_275 = tpu.vector_load %arg5[%get3A_273, %get3A_274] {strides = array<i32>} : memref<35x80xf32, #tpu.memory_space<vmem>>, vector<16xf32>,
        %convert_element_type3A_276 = arith.fptosi %get3A_275 : vector<16xf32> to vector<16xi32>
        %shift_left3A_277 = arith.constant 2 : i32
        %shift_left3A_278 = vector.broadcast %shift_left3A_277 : i32 to vector<16xi32>
        %shift_left3A_279 = arith.shli %convert_element_type3A_276, %shift_left3A_278 : vector<16xi32>
        %shift_left3A_280 = arith.shli %broadcast_in_dim3A_3, %shift_left3A_279 : vector<16xi32>
        %add3A_281 = arith.addi %add3A_269, %shift_left3A_280 : vector<16xi32>
        %mul3A_282 = arith.constant 16 : i32
        %mul3A_283 = arith.muli %scan3A_115, %mul3A_282 : i32
        %get3A_284 = arith.constant 14 : i32
        %get3A_285 = arith.index_cast %get3A_284 : i32 to index
        %get3A_286 = arith.index_cast %mul3A_283 : i32 to index
        %get3A_287 = tpu.vector_load %arg5[%get3A_285, %get3A_286] {strides = array<i32>} : memref<35x80xf32, #tpu.memory_space<vmem>>, vector<16xf32>,
        %convert_element_type3A_288 = arith.fptosi %get3A_287 : vector<16xf32> to vector<16xi32>
        %shift_left3A_289 = arith.constant 2 : i32
        %shift_left3A_290 = vector.broadcast %shift_left3A_289 : i32 to vector<16xi32>
        %shift_left3A_291 = arith.shli %convert_element_type3A_288, %shift_left3A_290 : vector<16xi32>
        %shift_left3A_292 = arith.shli %broadcast_in_dim3A_3, %shift_left3A_291 : vector<16xi32>
        %add3A_293 = arith.addi %add3A_281, %shift_left3A_292 : vector<16xi32>
        %mul3A_294 = arith.constant 16 : i32
        %mul3A_295 = arith.muli %scan3A_115, %mul3A_294 : i32
        %get3A_296 = arith.constant 15 : i32
        %get3A_297 = arith.index_cast %get3A_296 : i32 to index
        %get3A_298 = arith.index_cast %mul3A_295 : i32 to index
        %get3A_299 = tpu.vector_load %arg5[%get3A_297, %get3A_298] {strides = array<i32>} : memref<35x80xf32, #tpu.memory_space<vmem>>, vector<16xf32>,
        %convert_element_type3A_300 = arith.fptosi %get3A_299 : vector<16xf32> to vector<16xi32>
        %shift_left3A_301 = arith.constant 2 : i32
        %shift_left3A_302 = vector.broadcast %shift_left3A_301 : i32 to vector<16xi32>
        %shift_left3A_303 = arith.shli %convert_element_type3A_300, %shift_left3A_302 : vector<16xi32>
        %shift_left3A_304 = arith.shli %broadcast_in_dim3A_3, %shift_left3A_303 : vector<16xi32>
        %add3A_305 = arith.addi %broadcast_in_dim3A_1, %shift_left3A_304 : vector<16xi32>
        %mul3A_306 = arith.constant 16 : i32
        %mul3A_307 = arith.muli %scan3A_115, %mul3A_306 : i32
        %get3A_308 = arith.constant 16 : i32
        %get3A_309 = arith.index_cast %get3A_308 : i32 to index
        %get3A_310 = arith.index_cast %mul3A_307 : i32 to index
        %get3A_311 = tpu.vector_load %arg5[%get3A_309, %get3A_310] {strides = array<i32>} : memref<35x80xf32, #tpu.memory_space<vmem>>, vector<16xf32>,
        %convert_element_type3A_312 = arith.fptosi %get3A_311 : vector<16xf32> to vector<16xi32>
        %shift_left3A_313 = arith.constant 2 : i32
        %shift_left3A_314 = vector.broadcast %shift_left3A_313 : i32 to vector<16xi32>
        %shift_left3A_315 = arith.shli %convert_element_type3A_312, %shift_left3A_314 : vector<16xi32>
        %shift_left3A_316 = arith.shli %broadcast_in_dim3A_3, %shift_left3A_315 : vector<16xi32>
        %add3A_317 = arith.addi %add3A_305, %shift_left3A_316 : vector<16xi32>
        %mul3A_318 = arith.constant 16 : i32
        %mul3A_319 = arith.muli %scan3A_115, %mul3A_318 : i32
        %get3A_320 = arith.constant 17 : i32
        %get3A_321 = arith.index_cast %get3A_320 : i32 to index
        %get3A_322 = arith.index_cast %mul3A_319 : i32 to index
        %get3A_323 = tpu.vector_load %arg5[%get3A_321, %get3A_322] {strides = array<i32>} : memref<35x80xf32, #tpu.memory_space<vmem>>, vector<16xf32>,
        %convert_element_type3A_324 = arith.fptosi %get3A_323 : vector<16xf32> to vector<16xi32>
        %shift_left3A_325 = arith.constant 2 : i32
        %shift_left3A_326 = vector.broadcast %shift_left3A_325 : i32 to vector<16xi32>
        %shift_left3A_327 = arith.shli %convert_element_type3A_324, %shift_left3A_326 : vector<16xi32>
        %shift_left3A_328 = arith.shli %broadcast_in_dim3A_3, %shift_left3A_327 : vector<16xi32>
        %add3A_329 = arith.addi %add3A_317, %shift_left3A_328 : vector<16xi32>
        %mul3A_330 = arith.constant 16 : i32
        %mul3A_331 = arith.muli %scan3A_115, %mul3A_330 : i32
        %get3A_332 = arith.constant 18 : i32
        %get3A_333 = arith.index_cast %get3A_332 : i32 to index
        %get3A_334 = arith.index_cast %mul3A_331 : i32 to index
        %get3A_335 = tpu.vector_load %arg5[%get3A_333, %get3A_334] {strides = array<i32>} : memref<35x80xf32, #tpu.memory_space<vmem>>, vector<16xf32>,
        %convert_element_type3A_336 = arith.fptosi %get3A_335 : vector<16xf32> to vector<16xi32>
        %shift_left3A_337 = arith.constant 2 : i32
        %shift_left3A_338 = vector.broadcast %shift_left3A_337 : i32 to vector<16xi32>
        %shift_left3A_339 = arith.shli %convert_element_type3A_336, %shift_left3A_338 : vector<16xi32>
        %shift_left3A_340 = arith.shli %broadcast_in_dim3A_3, %shift_left3A_339 : vector<16xi32>
        %add3A_341 = arith.addi %add3A_329, %shift_left3A_340 : vector<16xi32>
        %mul3A_342 = arith.constant 16 : i32
        %mul3A_343 = arith.muli %scan3A_115, %mul3A_342 : i32
        %get3A_344 = arith.constant 19 : i32
        %get3A_345 = arith.index_cast %get3A_344 : i32 to index
        %get3A_346 = arith.index_cast %mul3A_343 : i32 to index
        %get3A_347 = tpu.vector_load %arg5[%get3A_345, %get3A_346] {strides = array<i32>} : memref<35x80xf32, #tpu.memory_space<vmem>>, vector<16xf32>,
        %convert_element_type3A_348 = arith.fptosi %get3A_347 : vector<16xf32> to vector<16xi32>
        %shift_left3A_349 = arith.constant 2 : i32
        %shift_left3A_350 = vector.broadcast %shift_left3A_349 : i32 to vector<16xi32>
        %shift_left3A_351 = arith.shli %convert_element_type3A_348, %shift_left3A_350 : vector<16xi32>
        %shift_left3A_352 = arith.shli %broadcast_in_dim3A_3, %shift_left3A_351 : vector<16xi32>
        %add3A_353 = arith.addi %add3A_341, %shift_left3A_352 : vector<16xi32>
        %mul3A_354 = arith.constant 16 : i32
        %mul3A_355 = arith.muli %scan3A_115, %mul3A_354 : i32
        %get3A_356 = arith.constant 20 : i32
        %get3A_357 = arith.index_cast %get3A_356 : i32 to index
        %get3A_358 = arith.index_cast %mul3A_355 : i32 to index
        %get3A_359 = tpu.vector_load %arg5[%get3A_357, %get3A_358] {strides = array<i32>} : memref<35x80xf32, #tpu.memory_space<vmem>>, vector<16xf32>,
        %convert_element_type3A_360 = arith.fptosi %get3A_359 : vector<16xf32> to vector<16xi32>
        %shift_left3A_361 = arith.constant 2 : i32
        %shift_left3A_362 = vector.broadcast %shift_left3A_361 : i32 to vector<16xi32>
        %shift_left3A_363 = arith.shli %convert_element_type3A_360, %shift_left3A_362 : vector<16xi32>
        %shift_left3A_364 = arith.shli %broadcast_in_dim3A_3, %shift_left3A_363 : vector<16xi32>
        %add3A_365 = arith.addi %add3A_353, %shift_left3A_364 : vector<16xi32>
        %mul3A_366 = arith.constant 16 : i32
        %mul3A_367 = arith.muli %scan3A_115, %mul3A_366 : i32
        %get3A_368 = arith.constant 21 : i32
        %get3A_369 = arith.index_cast %get3A_368 : i32 to index
        %get3A_370 = arith.index_cast %mul3A_367 : i32 to index
        %get3A_371 = tpu.vector_load %arg5[%get3A_369, %get3A_370] {strides = array<i32>} : memref<35x80xf32, #tpu.memory_space<vmem>>, vector<16xf32>,
        %convert_element_type3A_372 = arith.fptosi %get3A_371 : vector<16xf32> to vector<16xi32>
        %shift_left3A_373 = arith.constant 2 : i32
        %shift_left3A_374 = vector.broadcast %shift_left3A_373 : i32 to vector<16xi32>
        %shift_left3A_375 = arith.shli %convert_element_type3A_372, %shift_left3A_374 : vector<16xi32>
        %shift_left3A_376 = arith.shli %broadcast_in_dim3A_3, %shift_left3A_375 : vector<16xi32>
        %add3A_377 = arith.addi %add3A_365, %shift_left3A_376 : vector<16xi32>
        %mul3A_378 = arith.constant 16 : i32
        %mul3A_379 = arith.muli %scan3A_115, %mul3A_378 : i32
        %get3A_380 = arith.constant 22 : i32
        %get3A_381 = arith.index_cast %get3A_380 : i32 to index
        %get3A_382 = arith.index_cast %mul3A_379 : i32 to index
        %get3A_383 = tpu.vector_load %arg5[%get3A_381, %get3A_382] {strides = array<i32>} : memref<35x80xf32, #tpu.memory_space<vmem>>, vector<16xf32>,
        %convert_element_type3A_384 = arith.fptosi %get3A_383 : vector<16xf32> to vector<16xi32>
        %shift_left3A_385 = arith.constant 2 : i32
        %shift_left3A_386 = vector.broadcast %shift_left3A_385 : i32 to vector<16xi32>
        %shift_left3A_387 = arith.shli %convert_element_type3A_384, %shift_left3A_386 : vector<16xi32>
        %shift_left3A_388 = arith.shli %broadcast_in_dim3A_3, %shift_left3A_387 : vector<16xi32>
        %add3A_389 = arith.addi %add3A_377, %shift_left3A_388 : vector<16xi32>
        %mul3A_390 = arith.constant 16 : i32
        %mul3A_391 = arith.muli %scan3A_115, %mul3A_390 : i32
        %get3A_392 = arith.constant 23 : i32
        %get3A_393 = arith.index_cast %get3A_392 : i32 to index
        %get3A_394 = arith.index_cast %mul3A_391 : i32 to index
        %get3A_395 = tpu.vector_load %arg5[%get3A_393, %get3A_394] {strides = array<i32>} : memref<35x80xf32, #tpu.memory_space<vmem>>, vector<16xf32>,
        %convert_element_type3A_396 = arith.fptosi %get3A_395 : vector<16xf32> to vector<16xi32>
        %shift_left3A_397 = arith.constant 2 : i32
        %shift_left3A_398 = vector.broadcast %shift_left3A_397 : i32 to vector<16xi32>
        %shift_left3A_399 = arith.shli %convert_element_type3A_396, %shift_left3A_398 : vector<16xi32>
        %shift_left3A_400 = arith.shli %broadcast_in_dim3A_3, %shift_left3A_399 : vector<16xi32>
        %add3A_401 = arith.addi %add3A_389, %shift_left3A_400 : vector<16xi32>
        %mul3A_402 = arith.constant 16 : i32
        %mul3A_403 = arith.muli %scan3A_115, %mul3A_402 : i32
        %get3A_404 = arith.constant 24 : i32
        %get3A_405 = arith.index_cast %get3A_404 : i32 to index
        %get3A_406 = arith.index_cast %mul3A_403 : i32 to index
        %get3A_407 = tpu.vector_load %arg5[%get3A_405, %get3A_406] {strides = array<i32>} : memref<35x80xf32, #tpu.memory_space<vmem>>, vector<16xf32>,
        %convert_element_type3A_408 = arith.fptosi %get3A_407 : vector<16xf32> to vector<16xi32>
        %shift_left3A_409 = arith.constant 2 : i32
        %shift_left3A_410 = vector.broadcast %shift_left3A_409 : i32 to vector<16xi32>
        %shift_left3A_411 = arith.shli %convert_element_type3A_408, %shift_left3A_410 : vector<16xi32>
        %shift_left3A_412 = arith.shli %broadcast_in_dim3A_3, %shift_left3A_411 : vector<16xi32>
        %add3A_413 = arith.addi %add3A_401, %shift_left3A_412 : vector<16xi32>
        %mul3A_414 = arith.constant 16 : i32
        %mul3A_415 = arith.muli %scan3A_115, %mul3A_414 : i32
        %get3A_416 = arith.constant 25 : i32
        %get3A_417 = arith.index_cast %get3A_416 : i32 to index
        %get3A_418 = arith.index_cast %mul3A_415 : i32 to index
        %get3A_419 = tpu.vector_load %arg5[%get3A_417, %get3A_418] {strides = array<i32>} : memref<35x80xf32, #tpu.memory_space<vmem>>, vector<16xf32>,
        %convert_element_type3A_420 = arith.fptosi %get3A_419 : vector<16xf32> to vector<16xi32>
        %shift_left3A_421 = arith.constant 2 : i32
        %shift_left3A_422 = vector.broadcast %shift_left3A_421 : i32 to vector<16xi32>
        %shift_left3A_423 = arith.shli %convert_element_type3A_420, %shift_left3A_422 : vector<16xi32>
        %shift_left3A_424 = arith.shli %broadcast_in_dim3A_3, %shift_left3A_423 : vector<16xi32>
        %add3A_425 = arith.addi %add3A_413, %shift_left3A_424 : vector<16xi32>
        %mul3A_426 = arith.constant 16 : i32
        %mul3A_427 = arith.muli %scan3A_115, %mul3A_426 : i32
        %get3A_428 = arith.constant 26 : i32
        %get3A_429 = arith.index_cast %get3A_428 : i32 to index
        %get3A_430 = arith.index_cast %mul3A_427 : i32 to index
        %get3A_431 = tpu.vector_load %arg5[%get3A_429, %get3A_430] {strides = array<i32>} : memref<35x80xf32, #tpu.memory_space<vmem>>, vector<16xf32>,
        %convert_element_type3A_432 = arith.fptosi %get3A_431 : vector<16xf32> to vector<16xi32>
        %shift_left3A_433 = arith.constant 2 : i32
        %shift_left3A_434 = vector.broadcast %shift_left3A_433 : i32 to vector<16xi32>
        %shift_left3A_435 = arith.shli %convert_element_type3A_432, %shift_left3A_434 : vector<16xi32>
        %shift_left3A_436 = arith.shli %broadcast_in_dim3A_3, %shift_left3A_435 : vector<16xi32>
        %add3A_437 = arith.addi %add3A_425, %shift_left3A_436 : vector<16xi32>
        %mul3A_438 = arith.constant 16 : i32
        %mul3A_439 = arith.muli %scan3A_115, %mul3A_438 : i32
        %get3A_440 = arith.constant 27 : i32
        %get3A_441 = arith.index_cast %get3A_440 : i32 to index
        %get3A_442 = arith.index_cast %mul3A_439 : i32 to index
        %get3A_443 = tpu.vector_load %arg5[%get3A_441, %get3A_442] {strides = array<i32>} : memref<35x80xf32, #tpu.memory_space<vmem>>, vector<16xf32>,
        %convert_element_type3A_444 = arith.fptosi %get3A_443 : vector<16xf32> to vector<16xi32>
        %shift_left3A_445 = arith.constant 2 : i32
        %shift_left3A_446 = vector.broadcast %shift_left3A_445 : i32 to vector<16xi32>
        %shift_left3A_447 = arith.shli %convert_element_type3A_444, %shift_left3A_446 : vector<16xi32>
        %shift_left3A_448 = arith.shli %broadcast_in_dim3A_3, %shift_left3A_447 : vector<16xi32>
        %add3A_449 = arith.addi %add3A_437, %shift_left3A_448 : vector<16xi32>
        %mul3A_450 = arith.constant 16 : i32
        %mul3A_451 = arith.muli %scan3A_115, %mul3A_450 : i32
        %get3A_452 = arith.constant 28 : i32
        %get3A_453 = arith.index_cast %get3A_452 : i32 to index
        %get3A_454 = arith.index_cast %mul3A_451 : i32 to index
        %get3A_455 = tpu.vector_load %arg5[%get3A_453, %get3A_454] {strides = array<i32>} : memref<35x80xf32, #tpu.memory_space<vmem>>, vector<16xf32>,
        %convert_element_type3A_456 = arith.fptosi %get3A_455 : vector<16xf32> to vector<16xi32>
        %shift_left3A_457 = arith.constant 2 : i32
        %shift_left3A_458 = vector.broadcast %shift_left3A_457 : i32 to vector<16xi32>
        %shift_left3A_459 = arith.shli %convert_element_type3A_456, %shift_left3A_458 : vector<16xi32>
        %shift_left3A_460 = arith.shli %broadcast_in_dim3A_3, %shift_left3A_459 : vector<16xi32>
        %add3A_461 = arith.addi %add3A_449, %shift_left3A_460 : vector<16xi32>
        %mul3A_462 = arith.constant 16 : i32
        %mul3A_463 = arith.muli %scan3A_115, %mul3A_462 : i32
        %get3A_464 = arith.constant 29 : i32
        %get3A_465 = arith.index_cast %get3A_464 : i32 to index
        %get3A_466 = arith.index_cast %mul3A_463 : i32 to index
        %get3A_467 = tpu.vector_load %arg5[%get3A_465, %get3A_466] {strides = array<i32>} : memref<35x80xf32, #tpu.memory_space<vmem>>, vector<16xf32>,
        %convert_element_type3A_468 = arith.fptosi %get3A_467 : vector<16xf32> to vector<16xi32>
        %shift_left3A_469 = arith.constant 2 : i32
        %shift_left3A_470 = vector.broadcast %shift_left3A_469 : i32 to vector<16xi32>
        %shift_left3A_471 = arith.shli %convert_element_type3A_468, %shift_left3A_470 : vector<16xi32>
        %shift_left3A_472 = arith.shli %broadcast_in_dim3A_3, %shift_left3A_471 : vector<16xi32>
        %add3A_473 = arith.addi %add3A_461, %shift_left3A_472 : vector<16xi32>
        %mul3A_474 = arith.constant 16 : i32
        %mul3A_475 = arith.muli %scan3A_115, %mul3A_474 : i32
        %get3A_476 = arith.constant 30 : i32
        %get3A_477 = arith.index_cast %get3A_476 : i32 to index
        %get3A_478 = arith.index_cast %mul3A_475 : i32 to index
        %get3A_479 = tpu.vector_load %arg5[%get3A_477, %get3A_478] {strides = array<i32>} : memref<35x80xf32, #tpu.memory_space<vmem>>, vector<16xf32>,
        %convert_element_type3A_480 = arith.fptosi %get3A_479 : vector<16xf32> to vector<16xi32>
        %shift_left3A_481 = arith.constant 2 : i32
        %shift_left3A_482 = vector.broadcast %shift_left3A_481 : i32 to vector<16xi32>
        %shift_left3A_483 = arith.shli %convert_element_type3A_480, %shift_left3A_482 : vector<16xi32>
        %shift_left3A_484 = arith.shli %broadcast_in_dim3A_3, %shift_left3A_483 : vector<16xi32>
        %add3A_485 = arith.addi %broadcast_in_dim3A_1, %shift_left3A_484 : vector<16xi32>
        %mul3A_486 = arith.constant 16 : i32
        %mul3A_487 = arith.muli %scan3A_115, %mul3A_486 : i32
        %get3A_488 = arith.constant 31 : i32
        %get3A_489 = arith.index_cast %get3A_488 : i32 to index
        %get3A_490 = arith.index_cast %mul3A_487 : i32 to index
        %get3A_491 = tpu.vector_load %arg5[%get3A_489, %get3A_490] {strides = array<i32>} : memref<35x80xf32, #tpu.memory_space<vmem>>, vector<16xf32>,
        %convert_element_type3A_492 = arith.fptosi %get3A_491 : vector<16xf32> to vector<16xi32>
        %shift_left3A_493 = arith.constant 2 : i32
        %shift_left3A_494 = vector.broadcast %shift_left3A_493 : i32 to vector<16xi32>
        %shift_left3A_495 = arith.shli %convert_element_type3A_492, %shift_left3A_494 : vector<16xi32>
        %shift_left3A_496 = arith.shli %broadcast_in_dim3A_3, %shift_left3A_495 : vector<16xi32>
        %add3A_497 = arith.addi %add3A_485, %shift_left3A_496 : vector<16xi32>
        %mul3A_498 = arith.constant 16 : i32
        %mul3A_499 = arith.muli %scan3A_115, %mul3A_498 : i32
        %get3A_500 = arith.constant 32 : i32
        %get3A_501 = arith.index_cast %get3A_500 : i32 to index
        %get3A_502 = arith.index_cast %mul3A_499 : i32 to index
        %get3A_503 = tpu.vector_load %arg5[%get3A_501, %get3A_502] {strides = array<i32>} : memref<35x80xf32, #tpu.memory_space<vmem>>, vector<16xf32>,
        %convert_element_type3A_504 = arith.fptosi %get3A_503 : vector<16xf32> to vector<16xi32>
        %shift_left3A_505 = arith.constant 2 : i32
        %shift_left3A_506 = vector.broadcast %shift_left3A_505 : i32 to vector<16xi32>
        %shift_left3A_507 = arith.shli %convert_element_type3A_504, %shift_left3A_506 : vector<16xi32>
        %shift_left3A_508 = arith.shli %broadcast_in_dim3A_3, %shift_left3A_507 : vector<16xi32>
        %add3A_509 = arith.addi %add3A_497, %shift_left3A_508 : vector<16xi32>
        %mul3A_510 = arith.constant 16 : i32
        %mul3A_511 = arith.muli %scan3A_115, %mul3A_510 : i32
        %get3A_512 = arith.constant 33 : i32
        %get3A_513 = arith.index_cast %get3A_512 : i32 to index
        %get3A_514 = arith.index_cast %mul3A_511 : i32 to index
        %get3A_515 = tpu.vector_load %arg5[%get3A_513, %get3A_514] {strides = array<i32>} : memref<35x80xf32, #tpu.memory_space<vmem>>, vector<16xf32>,
        %convert_element_type3A_516 = arith.fptosi %get3A_515 : vector<16xf32> to vector<16xi32>
        %shift_left3A_517 = arith.constant 2 : i32
        %shift_left3A_518 = vector.broadcast %shift_left3A_517 : i32 to vector<16xi32>
        %shift_left3A_519 = arith.shli %convert_element_type3A_516, %shift_left3A_518 : vector<16xi32>
        %shift_left3A_520 = arith.shli %broadcast_in_dim3A_3, %shift_left3A_519 : vector<16xi32>
        %add3A_521 = arith.addi %add3A_509, %shift_left3A_520 : vector<16xi32>
        %mul3A_522 = arith.constant 16 : i32
        %mul3A_523 = arith.muli %scan3A_115, %mul3A_522 : i32
        %get3A_524 = arith.constant 34 : i32
        %get3A_525 = arith.index_cast %get3A_524 : i32 to index
        %get3A_526 = arith.index_cast %mul3A_523 : i32 to index
        %get3A_527 = tpu.vector_load %arg5[%get3A_525, %get3A_526] {strides = array<i32>} : memref<35x80xf32, #tpu.memory_space<vmem>>, vector<16xf32>,
        %convert_element_type3A_528 = arith.fptosi %get3A_527 : vector<16xf32> to vector<16xi32>
        %shift_left3A_529 = arith.constant 2 : i32
        %shift_left3A_530 = vector.broadcast %shift_left3A_529 : i32 to vector<16xi32>
        %shift_left3A_531 = arith.shli %convert_element_type3A_528, %shift_left3A_530 : vector<16xi32>
        %shift_left3A_532 = arith.shli %broadcast_in_dim3A_3, %shift_left3A_531 : vector<16xi32>
        %add3A_533 = arith.addi %add3A_521, %shift_left3A_532 : vector<16xi32>
        %and3A_534 = arith.andi %add3A_293, %broadcast_in_dim3A_7 : vector<16xi32>
        %and3A_535 = arith.andi %add3A_473, %broadcast_in_dim3A_7 : vector<16xi32>
        %add3A_536 = arith.addi %and3A_534, %and3A_535 : vector<16xi32>
        %and3A_537 = arith.andi %add3A_533, %broadcast_in_dim3A_7 : vector<16xi32>
        %add3A_538 = arith.addi %add3A_536, %and3A_537 : vector<16xi32>
        %shift_right_arithmetic3A = arith.constant 4 : i32
        %shift_right_arithmetic3A_539 = vector.broadcast %shift_right_arithmetic3A : i32 to vector<16xi32>
        %shift_right_arithmetic3A_540 = arith.shrsi %add3A_293, %shift_right_arithmetic3A_539 : vector<16xi32>
        %and3A_541 = arith.andi %shift_right_arithmetic3A_540, %broadcast_in_dim3A_7 : vector<16xi32>
        %shift_right_arithmetic3A_542 = arith.constant 4 : i32
        %shift_right_arithmetic3A_543 = vector.broadcast %shift_right_arithmetic3A_542 : i32 to vector<16xi32>
        %shift_right_arithmetic3A_544 = arith.shrsi %add3A_473, %shift_right_arithmetic3A_543 : vector<16xi32>
        %and3A_545 = arith.andi %shift_right_arithmetic3A_544, %broadcast_in_dim3A_7 : vector<16xi32>
        %add3A_546 = arith.addi %and3A_541, %and3A_545 : vector<16xi32>
        %shift_right_arithmetic3A_547 = arith.constant 4 : i32
        %shift_right_arithmetic3A_548 = vector.broadcast %shift_right_arithmetic3A_547 : i32 to vector<16xi32>
        %shift_right_arithmetic3A_549 = arith.shrsi %add3A_533, %shift_right_arithmetic3A_548 : vector<16xi32>
        %and3A_550 = arith.andi %shift_right_arithmetic3A_549, %broadcast_in_dim3A_7 : vector<16xi32>
        %add3A_551 = arith.addi %add3A_546, %and3A_550 : vector<16xi32>
        %shift_right_arithmetic3A_552 = arith.constant 0 : i32
        %shift_right_arithmetic3A_553 = vector.broadcast %shift_right_arithmetic3A_552 : i32 to vector<16xi32>
        %shift_right_arithmetic3A_554 = arith.shrsi %add3A_551, %shift_right_arithmetic3A_553 : vector<16xi32>
        %and3A_555 = arith.constant 255 : i32
        %and3A_556 = vector.broadcast %and3A_555 : i32 to vector<16xi32>
        %and3A_557 = arith.andi %shift_right_arithmetic3A_554, %and3A_556 : vector<16xi32>
        %shift_left3A_558 = arith.constant 3 : i32
        %shift_left3A_559 = vector.broadcast %shift_left3A_558 : i32 to vector<16xi32>
        %shift_left3A_560 = arith.shli %and3A_557, %shift_left3A_559 : vector<16xi32>
        %add3A_561 = arith.constant 6 : i32
        %add3A_562 = vector.broadcast %add3A_561 : i32 to vector<16xi32>
        %add3A_563 = arith.addi %shift_left3A_560, %add3A_562 : vector<16xi32>
        %max3A = arith.maxsi %broadcast_in_dim3A_5, %add3A_563 : vector<16xi32>
        %shift_right_arithmetic3A_564 = arith.constant 8 : i32
        %shift_right_arithmetic3A_565 = vector.broadcast %shift_right_arithmetic3A_564 : i32 to vector<16xi32>
        %shift_right_arithmetic3A_566 = arith.shrsi %add3A_538, %shift_right_arithmetic3A_565 : vector<16xi32>
        %and3A_567 = arith.constant 255 : i32
        %and3A_568 = vector.broadcast %and3A_567 : i32 to vector<16xi32>
        %and3A_569 = arith.andi %shift_right_arithmetic3A_566, %and3A_568 : vector<16xi32>
        %shift_left3A_570 = arith.constant 3 : i32
        %shift_left3A_571 = vector.broadcast %shift_left3A_570 : i32 to vector<16xi32>
        %shift_left3A_572 = arith.shli %and3A_569, %shift_left3A_571 : vector<16xi32>
        %add3A_573 = arith.constant 5 : i32
        %add3A_574 = vector.broadcast %add3A_573 : i32 to vector<16xi32>
        %add3A_575 = arith.addi %shift_left3A_572, %add3A_574 : vector<16xi32>
        %max3A_576 = arith.maxsi %max3A, %add3A_575 : vector<16xi32>
        %shift_right_arithmetic3A_577 = arith.constant 8 : i32
        %shift_right_arithmetic3A_578 = vector.broadcast %shift_right_arithmetic3A_577 : i32 to vector<16xi32>
        %shift_right_arithmetic3A_579 = arith.shrsi %add3A_551, %shift_right_arithmetic3A_578 : vector<16xi32>
        %and3A_580 = arith.constant 255 : i32
        %and3A_581 = vector.broadcast %and3A_580 : i32 to vector<16xi32>
        %and3A_582 = arith.andi %shift_right_arithmetic3A_579, %and3A_581 : vector<16xi32>
        %shift_left3A_583 = arith.constant 3 : i32
        %shift_left3A_584 = vector.broadcast %shift_left3A_583 : i32 to vector<16xi32>
        %shift_left3A_585 = arith.shli %and3A_582, %shift_left3A_584 : vector<16xi32>
        %add3A_586 = arith.constant 4 : i32
        %add3A_587 = vector.broadcast %add3A_586 : i32 to vector<16xi32>
        %add3A_588 = arith.addi %shift_left3A_585, %add3A_587 : vector<16xi32>
        %max3A_589 = arith.maxsi %max3A_576, %add3A_588 : vector<16xi32>
        %shift_right_arithmetic3A_590 = arith.constant 16 : i32
        %shift_right_arithmetic3A_591 = vector.broadcast %shift_right_arithmetic3A_590 : i32 to vector<16xi32>
        %shift_right_arithmetic3A_592 = arith.shrsi %add3A_538, %shift_right_arithmetic3A_591 : vector<16xi32>
        %and3A_593 = arith.constant 255 : i32
        %and3A_594 = vector.broadcast %and3A_593 : i32 to vector<16xi32>
        %and3A_595 = arith.andi %shift_right_arithmetic3A_592, %and3A_594 : vector<16xi32>
        %shift_left3A_596 = arith.constant 3 : i32
        %shift_left3A_597 = vector.broadcast %shift_left3A_596 : i32 to vector<16xi32>
        %shift_left3A_598 = arith.shli %and3A_595, %shift_left3A_597 : vector<16xi32>
        %add3A_599 = arith.constant 3 : i32
        %add3A_600 = vector.broadcast %add3A_599 : i32 to vector<16xi32>
        %add3A_601 = arith.addi %shift_left3A_598, %add3A_600 : vector<16xi32>
        %max3A_602 = arith.maxsi %max3A_589, %add3A_601 : vector<16xi32>
        %shift_right_arithmetic3A_603 = arith.constant 16 : i32
        %shift_right_arithmetic3A_604 = vector.broadcast %shift_right_arithmetic3A_603 : i32 to vector<16xi32>
        %shift_right_arithmetic3A_605 = arith.shrsi %add3A_551, %shift_right_arithmetic3A_604 : vector<16xi32>
        %and3A_606 = arith.constant 255 : i32
        %and3A_607 = vector.broadcast %and3A_606 : i32 to vector<16xi32>
        %and3A_608 = arith.andi %shift_right_arithmetic3A_605, %and3A_607 : vector<16xi32>
        %shift_left3A_609 = arith.constant 3 : i32
        %shift_left3A_610 = vector.broadcast %shift_left3A_609 : i32 to vector<16xi32>
        %shift_left3A_611 = arith.shli %and3A_608, %shift_left3A_610 : vector<16xi32>
        %add3A_612 = arith.constant 2 : i32
        %add3A_613 = vector.broadcast %add3A_612 : i32 to vector<16xi32>
        %add3A_614 = arith.addi %shift_left3A_611, %add3A_613 : vector<16xi32>
        %max3A_615 = arith.maxsi %max3A_602, %add3A_614 : vector<16xi32>
        %shift_right_arithmetic3A_616 = arith.constant 24 : i32
        %shift_right_arithmetic3A_617 = vector.broadcast %shift_right_arithmetic3A_616 : i32 to vector<16xi32>
        %shift_right_arithmetic3A_618 = arith.shrsi %add3A_538, %shift_right_arithmetic3A_617 : vector<16xi32>
        %and3A_619 = arith.constant 255 : i32
        %and3A_620 = vector.broadcast %and3A_619 : i32 to vector<16xi32>
        %and3A_621 = arith.andi %shift_right_arithmetic3A_618, %and3A_620 : vector<16xi32>
        %shift_left3A_622 = arith.constant 3 : i32
        %shift_left3A_623 = vector.broadcast %shift_left3A_622 : i32 to vector<16xi32>
        %shift_left3A_624 = arith.shli %and3A_621, %shift_left3A_623 : vector<16xi32>
        %add3A_625 = arith.constant 1 : i32
        %add3A_626 = vector.broadcast %add3A_625 : i32 to vector<16xi32>
        %add3A_627 = arith.addi %shift_left3A_624, %add3A_626 : vector<16xi32>
        %max3A_628 = arith.maxsi %max3A_615, %add3A_627 : vector<16xi32>
        %shift_right_arithmetic3A_629 = arith.constant 24 : i32
        %shift_right_arithmetic3A_630 = vector.broadcast %shift_right_arithmetic3A_629 : i32 to vector<16xi32>
        %shift_right_arithmetic3A_631 = arith.shrsi %add3A_551, %shift_right_arithmetic3A_630 : vector<16xi32>
        %and3A_632 = arith.constant 255 : i32
        %and3A_633 = vector.broadcast %and3A_632 : i32 to vector<16xi32>
        %and3A_634 = arith.andi %shift_right_arithmetic3A_631, %and3A_633 : vector<16xi32>
        %shift_left3A_635 = arith.constant 3 : i32
        %shift_left3A_636 = vector.broadcast %shift_left3A_635 : i32 to vector<16xi32>
        %shift_left3A_637 = arith.shli %and3A_634, %shift_left3A_636 : vector<16xi32>
        %add3A_638 = arith.constant 0 : i32
        %add3A_639 = vector.broadcast %add3A_638 : i32 to vector<16xi32>
        %add3A_640 = arith.addi %shift_left3A_637, %add3A_639 : vector<16xi32>
        %max3A_641 = arith.maxsi %max3A_628, %add3A_640 : vector<16xi32>
        %and3A_642 = arith.constant 7 : i32
        %and3A_643 = vector.broadcast %and3A_642 : i32 to vector<16xi32>
        %and3A_644 = arith.andi %max3A_641, %and3A_643 : vector<16xi32>
        %sub3A_645 = arith.constant 7 : i32
        %sub3A_646 = vector.broadcast %sub3A_645 : i32 to vector<16xi32>
        %sub3A_647 = arith.subi %sub3A_646, %and3A_644 : vector<16xi32>
        %mul3A_648 = arith.constant 16 : i32
        %mul3A_649 = arith.muli %scan3A_115, %mul3A_648 : i32
        %swap3A = arith.constant 0 : i32
        %swap3A_650 = arith.index_cast %swap3A : i32 to index
        %swap3A_651 = arith.index_cast %mul3A_649 : i32 to index
        %swap3A_652 = tpu.vector_load %arg6[%swap3A_650, %swap3A_651] {strides = array<i32>} : memref<16x128xi32, #tpu.memory_space<vmem>>, vector<16xi32>,
        tpu.vector_store %arg6[%swap3A_650, %swap3A_651], %sub3A_647 {strides = array<i32>} : memref<16x128xi32, #tpu.memory_space<vmem>>, vector<16xi32>,
      }
      %scan3A_113 = arith.constant 5 : i32
      %run_scoped3A_114 = arith.constant 0 : i32
      "tpu.region"() ({
        %run_scoped3A_115 = tpu.sem_alloc : memref<!tpu.dma_semaphore, #tpu.memory_space<semaphore_mem>>
        %dma_start3A_116 = arith.constant 0 : i32
        %dma_start3A_117 = tpu.memref_slice %arg6[%run_scoped3A_114, %dma_start3A_116] : memref<16x128xi32, #tpu.memory_space<vmem>> -> memref<1x80xi32, #tpu.memory_space<vmem>>
        %dma_start3A_118 = tpu.memref_squeeze %dma_start3A_117 : memref<1x80xi32, #tpu.memory_space<vmem>> -> memref<80xi32, #tpu.memory_space<vmem>>
        %dma_start3A_119 = arith.constant 49920 : i32
        %dma_start3A_120 = tpu.memref_slice %arg3[%dma_start3A_119] : memref<50000xi32, #tpu.memory_space<hbm>> -> memref<80xi32, #tpu.memory_space<hbm>>
        %dma_start3A_121 = arith.constant 49920 : i32
        %dma_start3A_122 = tpu.memref_slice %arg3[%dma_start3A_121] : memref<50000xi32, #tpu.memory_space<hbm>> -> memref<80xi32, #tpu.memory_space<hbm>>
        %dma_start3A_123 = arith.constant 0 : i32
        %dma_start3A_124 = tpu.memref_slice %arg6[%run_scoped3A_114, %dma_start3A_123] : memref<16x128xi32, #tpu.memory_space<vmem>> -> memref<1x80xi32, #tpu.memory_space<vmem>>
        %dma_start3A_125 = tpu.memref_squeeze %dma_start3A_124 : memref<1x80xi32, #tpu.memory_space<vmem>> -> memref<80xi32, #tpu.memory_space<vmem>>
        tpu.enqueue_dma source(%dma_start3A_125 : memref<80xi32, #tpu.memory_space<vmem>>) target(%dma_start3A_122 : memref<80xi32, #tpu.memory_space<hbm>>) target_semaphore(%run_scoped3A_115 : memref<!tpu.dma_semaphore, #tpu.memory_space<semaphore_mem>>)
        %dma_wait3A_126 = arith.constant 0 : i32
        %dma_wait3A_127 = tpu.memref_slice %arg6[%run_scoped3A_114, %dma_wait3A_126] : memref<16x128xi32, #tpu.memory_space<vmem>> -> memref<1x80xi32, #tpu.memory_space<vmem>>
        %dma_wait3A_128 = tpu.memref_squeeze %dma_wait3A_127 : memref<1x80xi32, #tpu.memory_space<vmem>> -> memref<80xi32, #tpu.memory_space<vmem>>
        %dma_wait3A_129 = arith.constant 49920 : i32
        %dma_wait3A_130 = tpu.memref_slice %arg3[%dma_wait3A_129] : memref<50000xi32, #tpu.memory_space<hbm>> -> memref<80xi32, #tpu.memory_space<hbm>>
        %dma_wait3A_131 = arith.constant 49920 : i32
        %dma_wait3A_132 = tpu.memref_slice %arg3[%dma_wait3A_131] : memref<50000xi32, #tpu.memory_space<hbm>> -> memref<80xi32, #tpu.memory_space<hbm>>
        %dma_wait3A_133 = arith.constant 0 : i32
        %dma_wait3A_134 = tpu.memref_slice %arg6[%run_scoped3A_114, %dma_wait3A_133] : memref<16x128xi32, #tpu.memory_space<vmem>> -> memref<1x80xi32, #tpu.memory_space<vmem>>
        %dma_wait3A_135 = tpu.memref_squeeze %dma_wait3A_134 : memref<1x80xi32, #tpu.memory_space<vmem>> -> memref<80xi32, #tpu.memory_space<vmem>>
        tpu.wait_dma2 semaphore(%run_scoped3A_115 : memref<!tpu.dma_semaphore, #tpu.memory_space<semaphore_mem>>) src(%dma_wait3A_135 : memref<80xi32, #tpu.memory_space<vmem>>) dst(%dma_wait3A_132 : memref<80xi32, #tpu.memory_space<hbm>>)
        tpu.yield
      }) : () -> ()
    } else {
    }
    return
  }
}

</mosaic_0001>

<sc_bundles>
// kernel: kernel.3.cloned.1.call-start
scs
__scs_entry_jumppad:
0x0: {  	(pc) =	sbr.rel $0x88, $3  }
0x1: {  	(tag) =	ssettag $0x0;
	lr =	simm.s32 $0x1  }
0x2: {  	[smem:$0x3FA0] =	sst lr;
	_ =	strace $0xD0000000  }
0x3: {  	_ = 	snop  }
0x4: {  	_ = 	snop  }
0x5: {  	_ = 	snop  }
0x6: {  	_ = 	snop  }
0x7: {  	_ = 	snop  }
__scs_overlays_trampoline_lowered:
0x8: {  	[smem:$0x3FAF] =	sst s0  }
0x9: {  	[smem:$0x3FB0] =	sst s1  }
0xa: {  	[smem:$0x3FB1] =	sst s2  }
0xb: {  	[smem:$0x3FB2] =	sst s3  }
0xc: {  	[smem:$0x3FB3] =	sst s4  }
0xd: {  	[smem:$0x3FB4] =	sst s5  }
0xe: {  	[smem:$0x3FB5] =	sst s6  }
0xf: {  	[smem:$0x3FB6] =	sst s7  }
0x10: {  	[smem:$0x3FB7] =	sst s8  }
0x11: {  	[smem:$0x3FB8] =	sst s9;
	s0 =	simm.s32 @!p0 $0x0  }
0x12: {  	s1 =	sld [smem:$0x3F9E];
	s0 =	simm.s32 @p0 $0x1  }
0x13: {  	[smem:$0x3FB9] =	sst s0;
	s0 =	simm.s32 @!p1 $0x0  }
0x14: {  	s2 =	sld [smem:$0x3F9D];
	s0 =	simm.s32 @p1 $0x1  }
0x15: {  	[smem:$0x3FBA] =	sst s0;
	s0 =	simm.s32 @!p2 $0x0  }
0x16: {  	s3 =	sld [smem:$0x3FDB];
	s0 =	simm.s32 @p2 $0x1  }
0x17: {  	s4 =	simm.s32 $0x1BF5;
	[smem:$0x3FBC] =	sst s0  }
0x18: {  	s0 =	sld [smem:$0x3F9F];
	_ =	swait.ge [sflag:s4], $0x0  }
0x19: {  	s7 =	sld [smem:$0x3FA0]  }
0x1a: {  	s8 =	sadd.s32 $0xFFFFE003, lr  }
0x1b: {  	s9 =	sadd.s32 $0xFFFFFEF7, lr;
	s5 =	simm.s32 $0xFFFFFFFF;
	p2 =	slt.u32 s8, $0xFFFFF086  }
0x1c: {  	p1 =	slt.u32 s9, $0xF7A;
	s5 =	simm.s32 @!p2 $0x0  }
0x1d: {  	s5 =	simm.s32 @p1 $0x1;
	p0 =	seq.s32 s7, s2  }
0x1e: {  	s7 =	smul.u32 @!p0 $0xF7A, s2;
	p2 =	seq.s32 @!p0 s5, $0x0  }
0x1f: {  	s9 =	smul.u32 $0xF7A, s1;
	s8 =	simm.s32 @!p0 $0x1BF5;
	p2 =	por !p2, p0  }
0x20: {  	[sflag:s8] =	ssyncset.s32 @!p0 $0xFFFFF086;
	s6 =	sadd.s32 @!p0 s3, s7;
	s7 =	simm.s32 @!p0 $0x108  }
0x21: {  	s3 =	sadd.s32 s3, s9;
	s6 =	sadd.s32 @!p0 $0x88, s6;
	s7 =	simm.s32 @p2 $0x1082  }
0x22: {  	[simem:s7], [sflag:s8] =	dma.local @!p0 [hbm:s6], $0xF7A  }
0x23: {  	s9 =	sor.u32 $0xD0000000, s2;
	s6 =	simm.s32 $0x108;
	_ =	swait.ge @!p0 [sflag:s8], $0x0  }
0x24: {  	s3 =	sadd.s32 $0x88, s3;
	s6 =	simm.s32 @!p1 $0x1082;
	[sflag:s4] =	ssyncset.s32 $0xFFFFF086  }
0x25: {  	[simem:s6], [sflag:s4] =	dma.local [hbm:s3], $0xF7A  }
0x26: {  	[smem:$0x3FA0] =	sst s1;
	(tag) =	ssettag s2;
	_ =	strace s9  }
0x27: {  	s1 =	sld [smem:$0x3FB0]  }
0x28: {  	s2 =	sld [smem:$0x3FB1]  }
0x29: {  	s4 =	sld [smem:$0x3FB3]  }
0x2a: {  	p0 =	seq.s32 s5, $0x0;
	s5 =	sld [smem:$0x3FB4]  }
0x2b: {  	s6 =	sld [smem:$0x3FB5]  }
0x2c: {  	s7 =	sld [smem:$0x3FB6]  }
0x2d: {  	s3 =	simm.s32 $0x108;
	s8 =	sld [smem:$0x3FB7]  }
0x2e: {  	s3 =	simm.s32 @!p0 $0x1082;
	s9 =	sld [smem:$0x3FB8]  }
0x2f: {  	lr =	sadd.s32 s0, s3;
	s0 =	sld [smem:$0x3FAF]  }
0x30: {  	s3 =	sld [smem:$0x3FB2]  }
0x31: {  	[smem:$0x3FBB] =	sst s10  }
0x32: {  	s10 =	sld [smem:$0x3FB9];
	_ =	sdelay $0x3  }
0x33: {  	p0 =	seq.s32 s10, $0x1;
	s10 =	sld [smem:$0x3FBB];
	_ =	sdelay $0x3  }
0x34: {  	[smem:$0x3FBB] =	sst s10  }
0x35: {  	s10 =	sld [smem:$0x3FBA];
	_ =	sdelay $0x3  }
0x36: {  	p1 =	seq.s32 s10, $0x1;
	s10 =	sld [smem:$0x3FBB];
	_ =	sdelay $0x3  }
0x37: {  	[smem:$0x3FBB] =	sst s10  }
0x38: {  	s10 =	sld [smem:$0x3FBC]  }
0x39: {  	_ = 	snop;
	(pc) =	sbr.ind lr, $3  }
0x3a: {  	_ = 	snop  }
0x3b: {  	_ = 	snop  }
0x3c: {  	p2 =	seq.s32 s10, $0x1;
	s10 =	sld [smem:$0x3FBB]  }
0x3d: {  	_ =	shalt  }
0x3e: {  	_ =	shalt  }
0x3f: {  	_ =	shalt  }
0x40: {  	_ =	shalt  }
0x41: {  	_ =	shalt  }
0x42: {  	_ =	shalt  }
0x43: {  	_ =	shalt  }
0x44: {  	_ =	shalt  }
0x45: {  	_ =	shalt  }
0x46: {  	_ =	shalt  }
0x47: {  	_ =	shalt  }
0x48: {  	_ =	shalt  }
0x49: {  	_ =	shalt  }
0x4a: {  	_ =	shalt  }
0x4b: {  	_ =	shalt  }
0x4c: {  	_ =	shalt  }
0x4d: {  	_ =	shalt  }
0x4e: {  	_ =	shalt  }
0x4f: {  	_ =	shalt  }
0x50: {  	_ =	shalt  }
0x51: {  	_ =	shalt  }
0x52: {  	_ =	shalt  }
0x53: {  	_ =	shalt  }
0x54: {  	_ =	shalt  }
0x55: {  	_ =	shalt  }
0x56: {  	_ =	shalt  }
0x57: {  	_ =	shalt  }
0x58: {  	_ =	shalt  }
0x59: {  	_ =	shalt  }
0x5a: {  	_ =	shalt  }
0x5b: {  	_ =	shalt  }
0x5c: {  	_ =	shalt  }
0x5d: {  	_ =	shalt  }
0x5e: {  	_ =	shalt  }
0x5f: {  	_ =	shalt  }
0x60: {  	_ =	shalt  }
0x61: {  	_ =	shalt  }
0x62: {  	_ =	shalt  }
0x63: {  	_ =	shalt  }
0x64: {  	_ =	shalt  }
0x65: {  	_ =	shalt  }
0x66: {  	_ =	shalt  }
0x67: {  	_ =	shalt  }
0x68: {  	_ =	shalt  }
0x69: {  	_ =	shalt  }
0x6a: {  	_ =	shalt  }
0x6b: {  	_ =	shalt  }
0x6c: {  	_ =	shalt  }
0x6d: {  	_ =	shalt  }
0x6e: {  	_ =	shalt  }
0x6f: {  	_ =	shalt  }
0x70: {  	_ =	shalt  }
0x71: {  	_ =	shalt  }
0x72: {  	_ =	shalt  }
0x73: {  	_ =	shalt  }
0x74: {  	_ =	shalt  }
0x75: {  	_ =	shalt  }
0x76: {  	_ =	shalt  }
0x77: {  	_ =	shalt  }
0x78: {  	_ =	shalt  }
0x79: {  	_ =	shalt  }
0x7a: {  	_ =	shalt  }
0x7b: {  	_ =	shalt  }
0x7c: {  	_ =	shalt  }
0x7d: {  	_ =	shalt  }
0x7e: {  	_ =	shalt  }
0x7f: {  	_ =	shalt  }
0x80: {  	_ =	shalt  }
0x81: {  	_ =	shalt  }
0x82: {  	_ =	shalt  }
0x83: {  	_ =	shalt  }
0x84: {  	_ =	shalt  }
0x85: {  	_ =	shalt  }
0x86: {  	_ =	shalt  }
0x87: {  	_ =	shalt  }
.Lfunc_end0:
.L_simem_size_0:
called_computation_lowered:
.L_overlay_start_0:
0x88: {  	s2 =	sld [smem:$0x3FD9]  }
0x89: {  	s3 =	sld [smem:$0x3FFE];
	_ =	sdelay $0x1  }
0x8a: {  	s1 =	srdreg.scid  }
0x8b: {  	s0 =	sand.u32 $0x1, s1  }
0x8c: {  	s17 =	sshll.u32 s0, $0xA;
	s2 =	sadd.s32 s3, s2  }
0x8d: {  	s2 =	sadd.s32 s2, s17  }
0x8e: {  	[smem:$0x3FC7] =	sst s2  }
0x8f: {  	_ = 	snop  }
0x90: {  	s2 =	sld [smem:$0x3FC9];
	(tm) =	ssettm $0x1  }
0x91: {  	s18 =	sld [smem:$0x3FFB];
	_ =	sdelay $0x3  }
0x92: {  	_ =	strace s18  }
0x93: {  	s3 =	sld [smem:$0x3FFC];
	_ =	sdelay $0x3  }
0x94: {  	_ =	strace s3  }
0x95: {  	s3 =	sld [smem:$0x3FFD];
	_ =	sdelay $0x3  }
0x96: {  	_ =	strace s3  }
0x97: {  	_ =	strace $0x8FFFFFFF  }
0x98: {  	s19 =	sld [smem:$0x3FDB];
	_ =	sdelay $0x1  }
0x99: {  	s4 =	simm.s32 $_scs_section_size  }
0x9a: {  	s5 =	simm.s32 $_size__tile_overlayer_lowered;
	s6 =	simm.s32 $_tile_overlayer_lowered  }
0x9b: {  	s22 =	simm.s32 $0x1BFF;
	s21 =	sshll.u32 s6, $0x1;
	s3 =	sadd.s32 s4, s19  }
0x9c: {  	s7 =	simm.s32 $0x0;
	s20 =	sshll.u32 s5, $0x1;
	s5 =	sadd.s32 s21, s3  }
0x9d: {  	[timem:s7], [sflag:s22] =	dma.local [hbm:s5], s20  }
0x9e: {  	_ =	swait.ge [sflag:s22], s20  }
0x9f: {  	s4 =	ssub.s32 $0x0, s20;
	[sflag:s22] =	ssyncset.done $0x0  }
0xa0: {  	[sflag:s22] =	ssyncadd.s32 s4;
	_ =	sdelay $0x1  }
0xa1: {  	s23 =	simm.s32 $0x1B8B  }
0xa2: {  	_ =	swait.ge [sflag:s23], $0x1  }
0xa3: {  	[sflag:s23] =	ssyncset.done $0x0  }
0xa4: {  	s25 =	simm.s32 $0x1B8E;
	s24 =	sld [smem:$0x3FFE];
	[sflag:s23] =	ssyncadd.s32 $0xFFFFFFFF  }
0xa5: {  	s26 =	simm.s32 $execute0_lowered;
	[smem:$0x3FD2] =	sst s25  }
0xa6: {  	s5 =	sshll.u32 s26, $0x1;
	_ =	strace $0x80000046;
	[dreg:$0x1] =	wrdreg $0xFFFFFFFF  }
0xa7: {  	s28 =	simm.s32 $_size_execute0_lowered;
	s3 =	sadd.s32 s3, s5;
	[dreg:$0x0] =	wrdreg $0x0  }
0xa8: {  	s5 =	sshll.u32 s28, $0x1;
	[dreg:$0x2] =	wrdreg s3  }
0xa9: {  	[dreg:$0x3] =	wrdreg s5  }
0xaa: {  	[dreg:$0x4] =	wrdreg $0xC0  }
0xab: {  	_ =	task [dreg:s7], $0x5FFFF  }
0xac: {  	[dreg:$0x1] =	wrdreg $0xFFFFFFFF  }
0xad: {  	[dreg:$0x0] =	wrdreg $0x60  }
0xae: {  	[dreg:$0x2] =	wrdreg s2  }
0xaf: {  	[dreg:$0x3] =	wrdreg s24  }
0xb0: {  	[dreg:$0x4] =	wrdreg $0x9  }
0xb1: {  	_ =	task.clear_ibuf [dreg:s7], $0x5FFFF;
	_ =	strace $0x90000046  }
0xb2: {  	s29 =	simm.s32 $0x9;
	_ =	strace $0x80000048  }
0xb3: {  	_ =	swait.ge [sflag:s29], $0x1  }
0xb4: {  	[sflag:s29] =	ssyncadd.s32 $0xFFFFFFFF  }
0xb5: {  	_ =	strace $0x90000048  }
0xb6: {  	_ =	sfence  }
0xb7: {  	s30 =	sld [smem:$0x0];
	_ =	sdelay $0x2  }
0xb8: {  	s31 =	sshll.u32 s1, $0xD;
	s1 =	sshrl.u32 s1, $0x2  }
0xb9: {  	s3 =	sand.u32 $0x4000, s31;
	s1 =	sadd.s32 s1, s30  }
0xba: {  	s0 =	sor.u32 s3, s0;
	s1 =	sshll.u32 s1, $0x11  }
0xbb: {  	s0 =	sor.u32 s1, s0  }
0xbc: {  	s0 =	sadd.s32 $0x8F2B, s0  }
0xbd: {  	[sflag:s0] =	ssyncadd.remote.s32 $0x1  }
0xbe: {  	_ =	sfence.sel $0xFFFF  }
0xbf: {  	[dreg:$0x0] =	wrdreg $0xFFFFFFFF;
	(pc) =	sbr.abs _section_cstart, $3  }
0xc0: {  	[dreg:$0x1] =	wrdreg $0xFFFFFFFF  }
0xc1: {  	_ =	task.clear_ibuf [dreg:s7], $0x2FFFF;
	_ =	strace $0x9FFFFFFF  }
0xc2: {  	(tm) =	ssettm $0x7FFFFFFF  }
0xc3: {  	_ =	shalt  }
tec
execute0_lowered:
.L_overlay_start_1:
0x0: {  	(tag) =	ssettag $0x1  }
0x1: {  	s9 =	rddreg [dreg:$0x0]  }
0x2: {  	s10 =	rddreg [dreg:$0x1]  }
0x3: {  	s0 =	rddreg [dreg:$0x2];
	s2 =	simm.s32 $0x0  }
0x4: {  	s3 =	srdreg.scid;
	s1 =	stileid.u32;
	s12 =	simm.s32 $0x80  }
0x5: {  	s13 =	simm.s32 $0x61C00;
	s14 =	simm.s32 $0x1400;
	s15 =	simm.s32 $0x2800  }
0x6: {  	s16 =	simm.s32 $0x6800;
	s17 =	simm.s32 $0x5;
	s18 =	simm.s32 $0x6  }
0x7: {  	s19 =	simm.s32 $0x5000;
	s20 =	simm.s32 $0x7;
	s21 =	simm.s32 $0x6400  }
0x8: {  	s22 =	simm.s32 $0x0;
	[smem:$0x7FF] =	sst s2;
	s3 =	sand.u32 $0x1, s3  }
0x9: {  	s4 =	sshll.u32 s1, $0x1;
	_ =	strace $0x80000047;
	s5 =	ssub.s32 $0x2, s3  }
.Ltmp0:
0xa: {  	s3 =	sor.u32 s3, s4;
	s4 =	sadd.s32 $0x400, s10;
	(pc) =	sbr.rel .LBB2_1-.Ltmp0, $4  }
0xb: {  	s10 =	sadd.s32 $0x1C60, s10;
	s6 =	sshrl.u32 s5, $0x1;
	s7 =	sshll.u32 s3, $0x7  }
0xc: {  	p0 =	sne.s32 s3, $0x1F;
	s11 =	ssub.s32 s5, s6;
	s5 =	sadd.s32 $0x70, s9  }
0xd: {  	s8 =	sadd.s32 s7, s9;
	s9 =	sadd.s32 $0xC370, s9;
	s6 =	sadd.s32 s7, s5  }
0xe: {  	v0 =	vimm.s32 $0x1;
	s7 =	sadd.s32 $0x1070, s8;
	s8 =	sadd.s32 $0x2070, s8;
	s11 =	smax.u32 s11, $0x1  }
.LBB2_11:
0xf: {  	s22 =	sadd.s32 $0x1, s22  }
0x10: {  	p1 =	sne.s32 s22, s11  }
.Ltmp1:
0x11: {  	_ = 	snop;
	(pc) =	sbr.rel @!p1 .LBB2_12-.Ltmp1, $1  }
0x12: {  	_ =	sdelay $0x3  }
.LBB2_1:
0x13: {  	[tilespmem:s2], [sflag:$0x1] =	stream.strided.gather [hbm4b:s6+s12], $0x1180, s13, s12, $0x38;
	[tilespmem:$0x6C00] =	vst v63  }
.Ltmp2:
0x14: {  	_ = 	snop;
	(pc) =	sbr.rel .LBB2_2-.Ltmp2, $4  }
0x15: {  	_ = 	snop  }
0x16: {  	[tilespmem:s14], [sflag:$0x2] =	stream.strided.gather [hbm4b:s7+s12], $0x1180, s13, s12, $0x38;
	[tilespmem:$0x6C00] =	vst v63  }
0x17: {  	p1 =	por $0x0, $0x0;
	s23 =	simm.s32 $0x0;
	s24 =	simm.s32 $0x0  }
0x18: {  	[tilespmem:s15], [sflag:$0x3] =	stream.strided.gather [hbm4b:s8+s12], $0x1180, s13, s12, $0x38;
	[tilespmem:$0x6C00] =	vst v63  }
.LBB2_6:
0x19: {  	s24 =	sadd.s32 $0x1, s24  }
0x1a: {  	p2 =	sne.s32 s24, $0xD  }
.Ltmp3:
0x1b: {  	_ = 	snop;
	(pc) =	sbr.rel @!p2 .LBB2_7-.Ltmp3, $2  }
0x1c: {  	_ =	sdelay $0x2  }
0x1d: {  	p1 =	por !p1, !p1;
	s23 =	sadd.s32 $0x1, s23  }
.LBB2_2:
0x1e: {  	s25 =	sadd.s32 $0x3, s24  }
0x1f: {  	s26 =	sshll.u32 s25, $0x5  }
0x20: {  	s26 =	sor.u32 s3, s26  }
0x21: {  	p2 =	sgt.u32 s26, $0x185  }
0x22: {  	s25 =	sand.u32 @!p2 $0x3, s25  }
0x23: {  	p3 =	sgt.s32 @!p2 s25, $0x1  }
0x24: {  	p4 =	por !p3, p2  }
0x25: {  	p4 =	seq.s32 @!p4 s25, $0x2  }
0x26: {  	s26 =	sshll.u32 @!p2 s26, $0x7;
	p5 =	por @!p2 !p4, !p3;
	p4 =	por @!p2 p4, !p3  }
0x27: {  	s26 =	sadd.s32 @!p2 s26, s5;
	p5 =	por p5, p2;
	p4 =	por p4, p2  }
0x28: {  	s28 =	simm.s32 @!p5 $0x80;
	s29 =	simm.s32 @!p5 $0x61C00;
	s30 =	simm.s32 @!p5 $0x2800  }
0x29: {  	[tilespmem:s30], [sflag:$0x3] =	stream.strided.gather @!p5 [hbm4b:s26+s28], $0x1180, s29, s28, $0x38;
	[tilespmem:$0x6C00] =	vst v63  }
0x2a: {  	s28 =	simm.s32 @!p4 $0x80;
	s29 =	simm.s32 @!p4 $0x61C00;
	s30 =	simm.s32 @!p4 $0x3C00  }
0x2b: {  	[tilespmem:s30], [sflag:$0x4] =	stream.strided.gather @!p4 [hbm4b:s26+s28], $0x1180, s29, s28, $0x38;
	[tilespmem:$0x6C00] =	vst v63  }
0x2c: {  	p4 =	por p3, p2  }
0x2d: {  	p4 =	seq.s32 @!p4 s25, $0x0  }
0x2e: {  	p5 =	por @!p2 !p4, p3;
	p3 =	por @!p2 p4, p3  }
0x2f: {  	p5 =	por p5, p2;
	p2 =	por p3, p2  }
0x30: {  	s28 =	simm.s32 @!p5 $0x80;
	s29 =	simm.s32 @!p5 $0x61C00;
	s30 =	simm.s32 @!p5 $0x0  }
0x31: {  	[tilespmem:s30], [sflag:$0x1] =	stream.strided.gather @!p5 [hbm4b:s26+s28], $0x1180, s29, s28, $0x38;
	[tilespmem:$0x6C00] =	vst v63  }
0x32: {  	s31 =	simm.s32 @!p2 $0x1400;
	s28 =	sand.u32 $0x3, s23  }
0x33: {  	s29 =	simm.s32 @!p2 $0x80;
	s30 =	simm.s32 @!p2 $0x61C00;
	s28 =	smul.u32 $0x5000, s28  }
0x34: {  	[tilespmem:s31], [sflag:$0x2] =	stream.strided.gather @!p2 [hbm4b:s26+s29], $0x1180, s30, s29, $0x38;
	[tilespmem:$0x6C00] =	vst v63  }
0x35: {  	s31 =	sshll.u32 s24, $0x5;
	s26 =	sshrl.u32 s28, $0x2  }
0x36: {  	s28 =	sadd.s32 $0x880, s26;
	s26 =	sor.u32 s3, s31  }
0x37: {  	p2 =	sgt.u32 s26, $0x185  }
.Ltmp4:
0x38: {  	_ = 	snop;
	(pc) =	sbr.rel @p2 .LBB2_6-.Ltmp4, $4  }
0x39: {  	s25 =	simm.s32 $0x1  }
0x3a: {  	s25 =	simm.s32 @!p1 $0x0  }
0x3b: {  	s25 =	sshll.u32 s25, $0xA  }
0x3c: {  	s29 =	sadd.s32 $0x6400, s25;
	s30 =	sand.u32 $0x3, s24;
	s25 =	sand.u32 $0x1, s24  }
0x3d: {  	p2 =	sgt.s32 s30, $0x1  }
0x3e: {  	p3 =	seq.s32 @p2 s30, $0x2  }
0x3f: {  	p4 =	seq.s32 @!p2 s30, $0x0;
	p3 =	por !p3, !p2  }
0x40: {  	s31 =	simm.s32 $0x1;
	p4 =	por !p4, p2;
	s30 =	simm.s32 @!p3 $0x3  }
0x41: {  	s31 =	simm.s32 @p4 $0x2;
	s30 =	simm.s32 @p3 $0x4;
	p3 =	slt.u32 s24, $0x2  }
0x42: {  	s31 =	smov.u32 @p2 s30;
	s30 =	sand.u32 @!p3 $0x1, s24  }
0x43: {  	_ =	swait.ge [sflag:s31], $0x1180;
	p2 =	seq.s32 @!p3 s30, $0x1  }
0x44: {  	v2 =	vmov s28;
	s30 =	simm.s32 @!p3 $0x6;
	[sflag:s31] =	ssyncset.done $0x0;
	p2 =	por !p2, p3  }
0x45: {  	[sflag:s31] =	ssyncadd.s32 $0xFFFFEE80;
	s30 =	simm.s32 @p2 $0x5  }
0x46: {  	_ =	swait.ge @!p3 [sflag:s30], $0x80  }
0x47: {  	[sflag:s30] =	ssyncset.done @!p3 $0x0  }
0x48: {  	s28 =	simm.s32 $0x0;
	[sflag:s30] =	ssyncadd.s32 @!p3 $0xFFFFFF80  }
0x49: {  	v1 =	vld.idx.msk [tilespmem:v2+s28+$0x880 ss:$0x1], $0xffff  }
0x4a: {  	v3 =	vld.idx.msk [tilespmem:v2+s28+$0x800 ss:$0x1], $0xffff  }
0x4b: {  	v4 =	vld.idx.msk [tilespmem:v2+s28+$0x780 ss:$0x1], $0xffff  }
0x4c: {  	v5 =	vld.idx.msk [tilespmem:v2+s28+$0x600 ss:$0x1], $0xffff  }
0x4d: {  	v6 =	vld.idx.msk [tilespmem:v2+s28+$0x700 ss:$0x1], $0xffff  }
0x4e: {  	v7 =	vld.idx.msk [tilespmem:v2+s28+$0x680 ss:$0x1], $0xffff  }
0x4f: {  	v8 =	vld.idx.msk [tilespmem:v2+s28+$0xFFFFFE80 ss:$0x1], $0xffff  }
0x50: {  	v16 =	vld.idx.msk [tilespmem:v2+s28+$0x300 ss:$0x1], $0xffff  }
0x51: {  	v17 =	vld.idx.msk [tilespmem:v2+s28+$0xFFFFFB80 ss:$0x1], $0xffff  }
0x52: {  	v19 =	vld.idx.msk [tilespmem:v2+s28+$0x280 ss:$0x1], $0xffff  }
0x53: {  	v20 =	vld.idx.msk [tilespmem:v2+s28+$0xFFFFFB00 ss:$0x1], $0xffff  }
0x54: {  	v21 =	vld.idx.msk [tilespmem:v2+s28+$0xFFFFFA80 ss:$0x1], $0xffff  }
0x55: {  	v22 =	vld.idx.msk [tilespmem:v2+s28+$0x180 ss:$0x1], $0xffff  }
0x56: {  	v23 =	vld.idx.msk [tilespmem:v2+s28+$0xFFFFFA00 ss:$0x1], $0xffff;
	v1 =	vtrunc.f32 v1;
	v3 =	vtrunc.f32 v3  }
0x57: {  	v27 =	vld.idx.msk [tilespmem:v2+s28+$0x100 ss:$0x1], $0xffff;
	v4 =	vtrunc.f32 v4;
	v5 =	vtrunc.f32 v5  }
0x58: {  	v29 =	vld.idx.msk [tilespmem:v2+s28+$0xFFFFF980 ss:$0x1], $0xffff;
	v7 =	vtrunc.f32 v7;
	v6 =	vtrunc.f32 v6  }
0x59: {  	v32 =	vld.idx.msk [tilespmem:v2+s28+$0x80 ss:$0x1], $0xffff;
	v8 =	vtrunc.f32 v8;
	v16 =	vtrunc.f32 v16  }
0x5a: {  	v17 =	vtrunc.f32 v17;
	v19 =	vtrunc.f32 v19  }
0x5b: {  	v20 =	vtrunc.f32 v20;
	v21 =	vtrunc.f32 v21  }
0x5c: {  	v22 =	vtrunc.f32 v22;
	v23 =	vtrunc.f32 v23  }
0x5d: {  	v27 =	vtrunc.f32 v27;
	v31 =	vtrunc.f32 v29  }
0x5e: {  	v32 =	vtrunc.f32 v32;
	v1 =	vcvt.f32.s32 v1  }
0x5f: {  	v3 =	vcvt.f32.s32 v3;
	v4 =	vcvt.f32.s32 v4  }
0x60: {  	v6 =	vcvt.f32.s32 v6;
	v5 =	vcvt.f32.s32 v5  }
0x61: {  	v16 =	vcvt.f32.s32 v16;
	v17 =	vcvt.f32.s32 v17  }
0x62: {  	v19 =	vcvt.f32.s32 v19;
	v20 =	vcvt.f32.s32 v20  }
0x63: {  	v21 =	vcvt.f32.s32 v21;
	v22 =	vcvt.f32.s32 v22;
	v3 =	vshll.u32 v3, $0x2  }
0x64: {  	v23 =	vcvt.f32.s32 v23;
	v10 =	vshll.u32 v0, v3;
	v3 =	vcvt.f32.s32 v7  }
0x65: {  	v30 =	vcvt.f32.s32 v27;
	v31 =	vcvt.f32.s32 v31;
	v9 =	vshll.u32 v1, $0x2  }
0x66: {  	v13 =	vld.idx.msk [tilespmem:v2+s28+$0x500 ss:$0x1], $0xffff;
	v4 =	vshll.u32 v4, $0x2;
	v6 =	vshll.u32 v6, $0x2;
	v3 =	vshll.u32 v3, $0x2  }
0x67: {  	v11 =	vld.idx.msk [tilespmem:v2+s28+$0x580 ss:$0x1], $0xffff;
	v5 =	vshll.u32 v5, $0x2;
	v6 =	vshll.u32 v0, v6;
	v14 =	vshll.u32 v0, v3  }
0x68: {  	v15 =	vld.idx.msk [tilespmem:v2+s28+$0x480 ss:$0x1], $0xffff;
	v12 =	vshll.u32 v0, v4;
	v3 =	vshll.u32 v0, v5;
	v5 =	vadd.s32 v14, v6  }
0x69: {  	v1 =	vmov s29;
	v16 =	vshll.u32 v16, $0x2;
	v7 =	vld.idx.msk [tilespmem:v2+s28+$0xFFFFFE00 ss:$0x1], $0xffff;
	v5 =	vadd.s32 v12, v5  }
0x6a: {  	v17 =	vshll.u32 v17, $0x2;
	v22 =	vshll.u32 v22, $0x2;
	v5 =	vadd.s32 v10, v5;
	v10 =	vld.idx.msk [tilespmem:v2+s28+$0x400 ss:$0x1], $0xffff  }
0x6b: {  	v9 =	vshll.u32 v0, v9;
	v4 =	vcvt.f32.s32 v8;
	v8 =	vld.idx.msk [tilespmem:v2+s28+$0xFFFFFD80 ss:$0x1], $0xffff;
	v12 =	vtrunc.f32 v13  }
0x6c: {  	v23 =	vshll.u32 v23, $0x2;
	v5 =	vadd.s32 v9, v5;
	v9 =	vcvt.f32.s32 v12;
	v12 =	vld.idx.msk [tilespmem:v2+s28+$0x380 ss:$0x1], $0xffff  }
0x6d: {  	v16 =	vshll.u32 v0, v16;
	v6 =	vtrunc.f32 v11;
	v14 =	vtrunc.f32 v15;
	v15 =	vld.idx.msk [tilespmem:v2+s28+$0xFFFFFC00 ss:$0x1], $0xffff  }
0x6e: {  	v22 =	vshll.u32 v0, v22;
	v7 =	vtrunc.f32 v7;
	v14 =	vcvt.f32.s32 v14  }
0x6f: {  	v4 =	vshll.u32 v4, $0x2;
	v11 =	vld.idx.msk [tilespmem:v2+s28+$0xFFFFFD00 ss:$0x1], $0xffff;
	v6 =	vcvt.f32.s32 v6;
	v10 =	vtrunc.f32 v10  }
0x70: {  	v13 =	vld.idx.msk [tilespmem:v2+s28+$0xFFFFFC80 ss:$0x1], $0xffff;
	v8 =	vtrunc.f32 v8;
	v14 =	vshll.u32 v14, $0x2;
	v18 =	vcvt.f32.s32 v10  }
0x71: {  	v7 =	vcvt.f32.s32 v7;
	v10 =	vshll.u32 v0, v14;
	v12 =	vtrunc.f32 v12  }
0x72: {  	v14 =	vtrunc.f32 v15;
	v15 =	vcvt.f32.s32 v12;
	v12 =	vshll.u32 v18, $0x2;
	v18 =	vld.idx.msk [tilespmem:v2+s28+$0x200 ss:$0x1], $0xffff  }
0x73: {  	v4 =	vshll.u32 v0, v4;
	v8 =	vcvt.f32.s32 v8;
	v6 =	vshll.u32 v6, $0x2  }
0x74: {  	v6 =	vshll.u32 v0, v6;
	v7 =	vshll.u32 v7, $0x2;
	v11 =	vtrunc.f32 v11  }
0x75: {  	v9 =	vshll.u32 v9, $0x2;
	v11 =	vcvt.f32.s32 v11;
	v13 =	vtrunc.f32 v13  }
0x76: {  	v26 =	vld.idx.msk [tilespmem:v2+s28+$0xFFFFF900 ss:$0x1], $0xffff;
	v8 =	vshll.u32 v8, $0x2;
	v9 =	vshll.u32 v0, v9;
	v13 =	vcvt.f32.s32 v13  }
0x77: {  	v24 =	vld.idx.msk [tilespmem:v2+s28+$0x0 ss:$0x1], $0xffff;
	v11 =	vshll.u32 v11, $0x2;
	v14 =	vcvt.f32.s32 v14;
	v18 =	vtrunc.f32 v18  }
0x78: {  	v28 =	vld.idx.msk [tilespmem:v2+s28+$0xFFFFF880 ss:$0x1], $0xffff;
	v13 =	vshll.u32 v13, $0x2;
	v15 =	vshll.u32 v15, $0x2;
	v25 =	vcvt.f32.s32 v18  }
0x79: {  	v29 =	vld.idx.msk [tilespmem:v2+s28+$0xFFFFFF00 ss:$0x1], $0xffff;
	v12 =	vshll.u32 v0, v12;
	v14 =	vshll.u32 v14, $0x2;
	v15 =	vshll.u32 v0, v15  }
0x7a: {  	v27 =	vld.idx.msk [tilespmem:v2+s28+$0xFFFFF800 ss:$0x1], $0xffff;
	v18 =	vshll.u32 v19, $0x2;
	v19 =	vshll.u32 v20, $0x2;
	v25 =	vshll.u32 v25, $0x2  }
0x7b: {  	s29 =	simm.s32 $0x40;
	v20 =	vshll.u32 v21, $0x2;
	v18 =	vshll.u32 v0, v18;
	v21 =	vshll.u32 v0, v25;
	v25 =	vld.idx.msk [tilespmem:v2+s28+$0xFFFFFF80 ss:$0x1], $0xffff  }
.LBB2_4:
0x7c: {  	p2 =	sne.s32 s29, $0x1C0;
	v33 =	vld.idx.msk [tilespmem:v2+s28+$0xFFFFF780 ss:$0x1], $0xffff;
	v26 =	vtrunc.f32 v26;
	v32 =	vcvt.f32.s32 v32;
	v30 =	vshll.u32 v30, $0x2  }
0x7d: {  	v26 =	vcvt.f32.s32 v26;
	v31 =	vshll.u32 v31, $0x2;
	v30 =	vshll.u32 v0, v30  }
0x7e: {  	v24 =	vtrunc.f32 v24;
	v28 =	vtrunc.f32 v28;
	v32 =	vshll.u32 v32, $0x2  }
0x7f: {  	v24 =	vcvt.f32.s32 v24;
	v28 =	vcvt.f32.s32 v28;
	v32 =	vshll.u32 v0, v32  }
0x80: {  	v25 =	vtrunc.f32 v25;
	v26 =	vshll.u32 v26, $0x2;
	v29 =	vtrunc.f32 v29  }
0x81: {  	v25 =	vcvt.f32.s32 v25;
	v24 =	vshll.u32 v24, $0x2;
	v29 =	vcvt.f32.s32 v29  }
0x82: {  	v27 =	vtrunc.f32 v27;
	v24 =	vshll.u32 v0, v24;
	v33 =	vtrunc.f32 v33  }
0x83: {  	v27 =	vcvt.f32.s32 v27;
	v25 =	vshll.u32 v25, $0x2;
	v33 =	vcvt.f32.s32 v33  }
0x84: {  	v28 =	vshll.u32 v28, $0x2;
	v29 =	vshll.u32 v29, $0x2;
	v25 =	vshll.u32 v0, v25  }
0x85: {  	v27 =	vshll.u32 v27, $0x2;
	v29 =	vshll.u32 v0, v29;
	v33 =	vshll.u32 v33, $0x2  }
0x86: {  	v27 =	vshll.u32 v0, v27;
	v25 =	vadd.s32 v29, v25;
	v33 =	vshll.u32 v0, v33  }
0x87: {  	v28 =	vshll.u32 v0, v28;
	v24 =	vadd.s32 v24, v25;
	v27 =	vadd.s32 v33, v27  }
0x88: {  	v26 =	vshll.u32 v0, v26;
	v24 =	vadd.s32 v32, v24;
	v25 =	vadd.s32 v28, v27  }
0x89: {  	v24 =	vadd.s32 v30, v24;
	v25 =	vadd.s32 v26, v25;
	v26 =	vshll.u32 v0, v31  }
0x8a: {  	v23 =	vshll.u32 v0, v23;
	v22 =	vadd.s32 v22, v24;
	v25 =	vadd.s32 v26, v25  }
0x8b: {  	v20 =	vshll.u32 v0, v20;
	v21 =	vadd.s32 v21, v22;
	v23 =	vadd.s32 v23, v25  }
0x8c: {  	v19 =	vshll.u32 v0, v19;
	v18 =	vadd.s32 v18, v21;
	v20 =	vadd.s32 v20, v23  }
0x8d: {  	v17 =	vshll.u32 v0, v17;
	v16 =	vadd.s32 v16, v18;
	v19 =	vadd.s32 v19, v20  }
0x8e: {  	v14 =	vshll.u32 v0, v14;
	v15 =	vadd.s32 v15, v16;
	v17 =	vadd.s32 v17, v19  }
0x8f: {  	v13 =	vshll.u32 v0, v13;
	v12 =	vadd.s32 v12, v15;
	v14 =	vadd.s32 v14, v17  }
0x90: {  	v11 =	vshll.u32 v0, v11;
	v10 =	vadd.s32 v10, v12;
	v13 =	vadd.s32 v13, v14  }
0x91: {  	v8 =	vshll.u32 v0, v8;
	v9 =	vadd.s32 v9, v10;
	v11 =	vadd.s32 v11, v13  }
0x92: {  	v7 =	vshll.u32 v0, v7;
	v6 =	vadd.s32 v6, v9;
	v8 =	vadd.s32 v8, v11  }
0x93: {  	v3 =	vadd.s32 v3, v6;
	v6 =	vand.u32 $0xF0F0F0F, v5;
	v7 =	vadd.s32 v7, v8  }
0x94: {  	v5 =	vshrl.u32 v5, $0x4;
	v4 =	vadd.s32 v4, v7;
	v7 =	vand.u32 $0xF0F0F0F, v3  }
0x95: {  	v3 =	vshrl.u32 v3, $0x4;
	v8 =	vand.u32 $0xF0F0F0F, v4;
	v4 =	vshrl.u32 v4, $0x4  }
0x96: {  	v3 =	vand.u32 $0xF0F0F0F, v3;
	v7 =	vadd.s32 v8, v7;
	v4 =	vand.u32 $0xF0F0F0F, v4  }
0x97: {  	v6 =	vadd.s32 v6, v7;
	v3 =	vadd.s32 v4, v3;
	v4 =	vand.u32 $0xF0F0F0F, v5  }
0x98: {  	v3 =	vadd.s32 v4, v3;
	v4 =	vshrl.u32 v6, $0xD  }
0x99: {  	v7 =	vshrl.u32 v6, $0x5;
	v5 =	vshll.u32 v3, $0x3;
	v4 =	vand.u32 $0x1F8, v4  }
0x9a: {  	v7 =	vand.u32 $0x1F8, v7;
	v8 =	vshrl.u32 v3, $0x5;
	v5 =	vand.u32 $0x1F8, v5  }
0x9b: {  	v7 =	vor.u32 $0x5, v7;
	v8 =	vand.u32 $0x1F8, v8;
	v5 =	vor.u32 $0x6, v5  }
0x9c: {  	v5 =	vmax.u32 v5, v7;
	v7 =	vor.u32 $0x4, v8;
	v8 =	vshrl.u32 v3, $0xD  }
0x9d: {  	v4 =	vor.u32 $0x3, v4;
	v5 =	vmax.u32 v5, v7;
	v7 =	vand.u32 $0x1F8, v8  }
0x9e: {  	v6 =	vshrl.u32 v6, $0x15;
	v4 =	vmax.u32 v5, v4;
	v5 =	vor.u32 $0x2, v7  }
0x9f: {  	v3 =	vshrl.u32 v3, $0x15;
	v4 =	vmax.u32 v4, v5;
	v5 =	vor.u32 $0x1, v6  }
0xa0: {  	v3 =	vand.u32 $0x1F8, v3;
	v4 =	vmax.u32 v4, v5  }
0xa1: {  	v3 =	vmax.u32 v4, v3  }
0xa2: {  	v3 =	vmax.u32 v3, $0x7  }
0xa3: {  	v3 =	vandn.u32 $0x7, v3  }
0xa4: {  	[tilespmem:v1+s28+$0x0 ss:$0x1] =	vst.idx.msk $0xffff, v3;
	s28 =	sshra.s32 s29, $0x2  }
0xa5: {  	v3 =	vld.idx.msk [tilespmem:v2+s28+$0x880 ss:$0x1], $0xffff;
	_ =	sdelay $0x1  }
0xa6: {  	v4 =	vld.idx.msk [tilespmem:v2+s28+$0x800 ss:$0x1], $0xffff  }
0xa7: {  	v5 =	vld.idx.msk [tilespmem:v2+s28+$0x780 ss:$0x1], $0xffff  }
0xa8: {  	v6 =	vld.idx.msk [tilespmem:v2+s28+$0x600 ss:$0x1], $0xffff  }
0xa9: {  	v7 =	vld.idx.msk [tilespmem:v2+s28+$0x700 ss:$0x1], $0xffff  }
0xaa: {  	v3 =	vtrunc.f32 v3;
	v8 =	vld.idx.msk [tilespmem:v2+s28+$0x680 ss:$0x1], $0xffff  }
0xab: {  	v3 =	vcvt.f32.s32 v3  }
0xac: {  	v4 =	vtrunc.f32 v4;
	v9 =	vld.idx.msk [tilespmem:v2+s28+$0xFFFFFE80 ss:$0x1], $0xffff  }
0xad: {  	v4 =	vcvt.f32.s32 v4;
	v3 =	vshll.u32 v3, $0x2  }
0xae: {  	v5 =	vtrunc.f32 v5;
	v10 =	vshll.u32 v0, v3  }
0xaf: {  	v3 =	vtrunc.f32 v6;
	v5 =	vcvt.f32.s32 v5;
	v4 =	vshll.u32 v4, $0x2  }
0xb0: {  	v7 =	vtrunc.f32 v7;
	v8 =	vtrunc.f32 v8;
	v11 =	vshll.u32 v0, v4;
	v6 =	vld.idx.msk [tilespmem:v2+s28+$0x580 ss:$0x1], $0xffff  }
0xb1: {  	v7 =	vcvt.f32.s32 v7;
	v5 =	vshll.u32 v5, $0x2;
	v4 =	vcvt.f32.s32 v8;
	v12 =	vld.idx.msk [tilespmem:v2+s28+$0xFFFFFE00 ss:$0x1], $0xffff  }
0xb2: {  	v3 =	vcvt.f32.s32 v3;
	v5 =	vshll.u32 v0, v5;
	v8 =	vtrunc.f32 v9;
	v9 =	vld.idx.msk [tilespmem:v2+s28+$0x500 ss:$0x1], $0xffff  }
0xb3: {  	v7 =	vshll.u32 v7, $0x2;
	v8 =	vcvt.f32.s32 v8;
	v4 =	vshll.u32 v4, $0x2;
	v13 =	vld.idx.msk [tilespmem:v2+s28+$0xFFFFFD80 ss:$0x1], $0xffff  }
0xb4: {  	v3 =	vshll.u32 v3, $0x2;
	v7 =	vshll.u32 v0, v7;
	v4 =	vshll.u32 v0, v4;
	v14 =	vld.idx.msk [tilespmem:v2+s28+$0x480 ss:$0x1], $0xffff  }
0xb5: {  	v3 =	vshll.u32 v0, v3;
	v8 =	vshll.u32 v8, $0x2;
	v7 =	vadd.s32 v4, v7  }
0xb6: {  	v4 =	vshll.u32 v0, v8;
	v6 =	vtrunc.f32 v6;
	v5 =	vadd.s32 v5, v7;
	v15 =	vld.idx.msk [tilespmem:v2+s28+$0xFFFFFD00 ss:$0x1], $0xffff  }
0xb7: {  	v7 =	vtrunc.f32 v12;
	v6 =	vcvt.f32.s32 v6;
	v5 =	vadd.s32 v11, v5;
	v12 =	vld.idx.msk [tilespmem:v2+s28+$0x400 ss:$0x1], $0xffff  }
0xb8: {  	v7 =	vcvt.f32.s32 v7;
	v8 =	vtrunc.f32 v9;
	v5 =	vadd.s32 v10, v5;
	v11 =	vld.idx.msk [tilespmem:v2+s28+$0xFFFFFC80 ss:$0x1], $0xffff  }
0xb9: {  	v9 =	vtrunc.f32 v13;
	v8 =	vcvt.f32.s32 v8;
	v6 =	vshll.u32 v6, $0x2;
	v13 =	vld.idx.msk [tilespmem:v2+s28+$0x380 ss:$0x1], $0xffff  }
0xba: {  	v9 =	vcvt.f32.s32 v9;
	v10 =	vtrunc.f32 v14;
	v6 =	vshll.u32 v0, v6;
	v16 =	vld.idx.msk [tilespmem:v2+s28+$0xFFFFFC00 ss:$0x1], $0xffff  }
0xbb: {  	v7 =	vshll.u32 v7, $0x2;
	v10 =	vcvt.f32.s32 v10;
	v17 =	vshll.u32 v8, $0x2;
	v14 =	vld.idx.msk [tilespmem:v2+s28+$0x300 ss:$0x1], $0xffff  }
0xbc: {  	v15 =	vtrunc.f32 v15;
	v8 =	vshll.u32 v9, $0x2;
	v9 =	vshll.u32 v0, v17  }
0xbd: {  	v15 =	vcvt.f32.s32 v15;
	v12 =	vtrunc.f32 v12;
	v10 =	vshll.u32 v10, $0x2;
	v17 =	vld.idx.msk [tilespmem:v2+s28+$0xFFFFFB80 ss:$0x1], $0xffff  }
0xbe: {  	v11 =	vtrunc.f32 v11;
	v12 =	vcvt.f32.s32 v12;
	v10 =	vshll.u32 v0, v10;
	v18 =	vld.idx.msk [tilespmem:v2+s28+$0x280 ss:$0x1], $0xffff  }
0xbf: {  	v20 =	vcvt.f32.s32 v11;
	v11 =	vshll.u32 v15, $0x2;
	v13 =	vtrunc.f32 v13;
	v19 =	vld.idx.msk [tilespmem:v2+s28+$0xFFFFFB00 ss:$0x1], $0xffff  }
0xc0: {  	v15 =	vtrunc.f32 v16;
	v16 =	vcvt.f32.s32 v13;
	v12 =	vshll.u32 v12, $0x2;
	v21 =	vld.idx.msk [tilespmem:v2+s28+$0x200 ss:$0x1], $0xffff  }
0xc1: {  	v15 =	vcvt.f32.s32 v15;
	v14 =	vtrunc.f32 v14;
	v12 =	vshll.u32 v0, v12;
	v22 =	vld.idx.msk [tilespmem:v2+s28+$0xFFFFFA80 ss:$0x1], $0xffff  }
0xc2: {  	v13 =	vshll.u32 v20, $0x2;
	v23 =	vcvt.f32.s32 v14;
	v16 =	vshll.u32 v16, $0x2;
	v20 =	vld.idx.msk [tilespmem:v2+s28+$0x180 ss:$0x1], $0xffff  }
0xc3: {  	v17 =	vtrunc.f32 v17;
	v14 =	vshll.u32 v15, $0x2;
	v15 =	vshll.u32 v0, v16  }
0xc4: {  	v17 =	vcvt.f32.s32 v17;
	v16 =	vtrunc.f32 v18;
	v18 =	vshll.u32 v23, $0x2;
	v25 =	vld.idx.msk [tilespmem:v2+s28+$0xFFFFFA00 ss:$0x1], $0xffff  }
0xc5: {  	v19 =	vtrunc.f32 v19;
	v24 =	vcvt.f32.s32 v16;
	v16 =	vshll.u32 v0, v18;
	v23 =	vld.idx.msk [tilespmem:v2+s28+$0x100 ss:$0x1], $0xffff  }
0xc6: {  	v19 =	vcvt.f32.s32 v19;
	v17 =	vshll.u32 v17, $0x2;
	v18 =	vtrunc.f32 v21;
	v27 =	vld.idx.msk [tilespmem:v2+s28+$0xFFFFF980 ss:$0x1], $0xffff  }
0xc7: {  	v21 =	vtrunc.f32 v22;
	v22 =	vcvt.f32.s32 v18;
	v18 =	vshll.u32 v24, $0x2;
	v32 =	vld.idx.msk [tilespmem:v2+s28+$0x80 ss:$0x1], $0xffff  }
0xc8: {  	v21 =	vcvt.f32.s32 v21;
	v20 =	vtrunc.f32 v20;
	v18 =	vshll.u32 v0, v18;
	v26 =	vld.idx.msk [tilespmem:v2+s28+$0xFFFFF900 ss:$0x1], $0xffff  }
.Ltmp5:
0xc9: {  	v19 =	vshll.u32 v19, $0x2;
	v29 =	vcvt.f32.s32 v20;
	v22 =	vshll.u32 v22, $0x2;
	v24 =	vld.idx.msk [tilespmem:v2+s28+$0x0 ss:$0x1], $0xffff;
	(pc) =	sbr.rel @p2 .LBB2_4-.Ltmp5, $4  }
0xca: {  	v25 =	vtrunc.f32 v25;
	v20 =	vshll.u32 v21, $0x2;
	v21 =	vshll.u32 v0, v22;
	v28 =	vld.idx.msk [tilespmem:v2+s28+$0xFFFFF880 ss:$0x1], $0xffff  }
0xcb: {  	v33 =	vcvt.f32.s32 v25;
	v22 =	vtrunc.f32 v23;
	v23 =	vshll.u32 v29, $0x2;
	v25 =	vld.idx.msk [tilespmem:v2+s28+$0xFFFFFF80 ss:$0x1], $0xffff  }
0xcc: {  	v31 =	vtrunc.f32 v27;
	v30 =	vcvt.f32.s32 v22;
	v22 =	vshll.u32 v0, v23;
	v29 =	vld.idx.msk [tilespmem:v2+s28+$0xFFFFFF00 ss:$0x1], $0xffff  }
0xcd: {  	s29 =	sadd.s32 $0x40, s29;
	v31 =	vcvt.f32.s32 v31;
	v23 =	vshll.u32 v33, $0x2;
	v32 =	vtrunc.f32 v32;
	v27 =	vld.idx.msk [tilespmem:v2+s28+$0xFFFFF800 ss:$0x1], $0xffff  }
0xce: {  	_ =	sdelay $0x2  }
0xcf: {  	v26 =	vtrunc.f32 v26;
	v32 =	vcvt.f32.s32 v32;
	v30 =	vshll.u32 v30, $0x2  }
0xd0: {  	v2 =	vld.idx.msk [tilespmem:v2+s28+$0xFFFFF780 ss:$0x1], $0xffff;
	v24 =	vtrunc.f32 v24;
	v26 =	vcvt.f32.s32 v26;
	v31 =	vshll.u32 v31, $0x2  }
0xd1: {  	v30 =	vshll.u32 v0, v30;
	v28 =	vtrunc.f32 v28;
	v24 =	vcvt.f32.s32 v24  }
0xd2: {  	v32 =	vshll.u32 v32, $0x2;
	v28 =	vcvt.f32.s32 v28;
	v25 =	vtrunc.f32 v25  }
0xd3: {  	v32 =	vshll.u32 v0, v32;
	v26 =	vshll.u32 v26, $0x2;
	v29 =	vtrunc.f32 v29  }
0xd4: {  	v25 =	vcvt.f32.s32 v25;
	v24 =	vshll.u32 v24, $0x2;
	v29 =	vcvt.f32.s32 v29  }
0xd5: {  	v27 =	vtrunc.f32 v27;
	v24 =	vshll.u32 v0, v24;
	v2 =	vtrunc.f32 v2  }
0xd6: {  	v27 =	vcvt.f32.s32 v27;
	v25 =	vshll.u32 v25, $0x2;
	v2 =	vcvt.f32.s32 v2  }
0xd7: {  	v28 =	vshll.u32 v28, $0x2;
	v29 =	vshll.u32 v29, $0x2;
	v25 =	vshll.u32 v0, v25  }
0xd8: {  	v27 =	vshll.u32 v27, $0x2;
	v29 =	vshll.u32 v0, v29;
	v2 =	vshll.u32 v2, $0x2  }
0xd9: {  	v27 =	vshll.u32 v0, v27;
	v25 =	vadd.s32 v29, v25;
	v2 =	vshll.u32 v0, v2  }
0xda: {  	v51 =	vshll.u32 v0, v28;
	v24 =	vadd.s32 v24, v25;
	v2 =	vadd.s32 v2, v27  }
0xdb: {  	v52 =	vshll.u32 v0, v26;
	v24 =	vadd.s32 v32, v24;
	v2 =	vadd.s32 v51, v2  }
0xdc: {  	v53 =	vshll.u32 v0, v31;
	v24 =	vadd.s32 v30, v24;
	v2 =	vadd.s32 v52, v2  }
0xdd: {  	v23 =	vshll.u32 v0, v23;
	v22 =	vadd.s32 v22, v24;
	v2 =	vadd.s32 v53, v2  }
0xde: {  	v20 =	vshll.u32 v0, v20;
	v21 =	vadd.s32 v21, v22;
	v2 =	vadd.s32 v23, v2  }
0xdf: {  	v19 =	vshll.u32 v0, v19;
	v18 =	vadd.s32 v18, v21;
	v2 =	vadd.s32 v20, v2  }
0xe0: {  	v17 =	vshll.u32 v0, v17;
	v16 =	vadd.s32 v16, v18;
	v2 =	vadd.s32 v19, v2  }
0xe1: {  	v14 =	vshll.u32 v0, v14;
	v15 =	vadd.s32 v15, v16;
	v2 =	vadd.s32 v17, v2  }
0xe2: {  	v13 =	vshll.u32 v0, v13;
	v12 =	vadd.s32 v12, v15;
	v2 =	vadd.s32 v14, v2  }
0xe3: {  	v11 =	vshll.u32 v0, v11;
	v10 =	vadd.s32 v10, v12;
	v2 =	vadd.s32 v13, v2  }
0xe4: {  	v8 =	vshll.u32 v0, v8;
	v9 =	vadd.s32 v9, v10;
	v2 =	vadd.s32 v11, v2  }
0xe5: {  	v7 =	vshll.u32 v0, v7;
	v6 =	vadd.s32 v6, v9;
	v2 =	vadd.s32 v8, v2  }
0xe6: {  	v54 =	vand.u32 $0xF0F0F0F, v5;
	v3 =	vadd.s32 v3, v6;
	v2 =	vadd.s32 v7, v2  }
0xe7: {  	v56 =	vshrl.u32 v5, $0x4;
	v55 =	vand.u32 $0xF0F0F0F, v3;
	v2 =	vadd.s32 v4, v2  }
0xe8: {  	v3 =	vshrl.u32 v3, $0x4;
	v57 =	vand.u32 $0xF0F0F0F, v2;
	v2 =	vshrl.u32 v2, $0x4  }
0xe9: {  	v3 =	vand.u32 $0xF0F0F0F, v3;
	v4 =	vadd.s32 v57, v55;
	v2 =	vand.u32 $0xF0F0F0F, v2  }
0xea: {  	v4 =	vadd.s32 v54, v4;
	v2 =	vadd.s32 v2, v3;
	v3 =	vand.u32 $0xF0F0F0F, v56  }
0xeb: {  	v2 =	vadd.s32 v3, v2;
	v3 =	vshrl.u32 v4, $0xD  }
0xec: {  	v6 =	vshrl.u32 v4, $0x5;
	v58 =	vshll.u32 v2, $0x3;
	v3 =	vand.u32 $0x1F8, v3  }
0xed: {  	v6 =	vand.u32 $0x1F8, v6;
	v59 =	vshrl.u32 v2, $0x5;
	v5 =	vand.u32 $0x1F8, v58  }
0xee: {  	v6 =	vor.u32 $0x5, v6;
	v7 =	vand.u32 $0x1F8, v59;
	v5 =	vor.u32 $0x6, v5  }
0xef: {  	v61 =	vshrl.u32 v2, $0xD;
	v60 =	vor.u32 $0x4, v7;
	v5 =	vmax.u32 v5, v6  }
0xf0: {  	v3 =	vor.u32 $0x3, v3;
	v62 =	vand.u32 $0x1F8, v61;
	v5 =	vmax.u32 v5, v60  }
0xf1: {  	v4 =	vshrl.u32 v4, $0x15;
	v63 =	vor.u32 $0x2, v62;
	v3 =	vmax.u32 v5, v3  }
0xf2: {  	v4 =	vor.u32 $0x1, v4;
	v2 =	vshrl.u32 v2, $0x15;
	v3 =	vmax.u32 v3, v63  }
0xf3: {  	v2 =	vand.u32 $0x1F8, v2;
	v3 =	vmax.u32 v3, v4  }
0xf4: {  	v2 =	vmax.u32 v3, v2  }
0xf5: {  	s26 =	sshll.u32 s26, $0x4;
	v2 =	vmax.u32 v2, $0x7  }
.Ltmp6:
0xf6: {  	p2 =	seq.s32 s25, $0x1;
	s26 =	sadd.s32 s4, s26;
	v2 =	vandn.u32 $0x7, v2;
	(pc) =	sbr.rel .LBB2_6-.Ltmp6, $4  }
0xf7: {  	s29 =	simm.s32 @!p2 $0x6400;
	p3 =	seq.s32 @!p2 s25, $0x0;
	[tilespmem:v1+s28+$0x0 ss:$0x1] =	vst.idx.msk $0xffff, v2;
	s28 =	simm.s32 @!p2 $0x0  }
0xf8: {  	[hbm4b:s26+s28] =	stream.linear.scatter @!p2 [tilespmem:s29], [sflag:$0x5], $0x80, $0x38;
	[tilespmem:$0x6C00] =	vst v63  }
0xf9: {  	p2 =	por p2, !p3  }
0xfa: {  	[hbm4b:s26+s2] =	stream.linear.scatter @p2 [tilespmem:s16], [sflag:$0x6], $0x80, $0x38;
	[tilespmem:$0x6C00] =	vst v63  }
.LBB2_7:
0xfb: {  	_ =	swait.ge [sflag:s17], $0x80  }
.Ltmp7:
0xfc: {  	[sflag:s17] =	ssyncset.done $0x0;
	(pc) =	sbr.rel @p0 .LBB2_11-.Ltmp7, $4  }
0xfd: {  	[sflag:s17] =	ssyncadd.s32 $0xFFFFFF80  }
0xfe: {  	_ =	swait.ge [sflag:s18], $0x80  }
0xff: {  	[sflag:s18] =	ssyncset.done $0x0  }
0x100: {  	[sflag:s18] =	ssyncadd.s32 $0xFFFFFF80  }
0x101: {  	[tilespmem:s19], [sflag:$0x7] =	stream.strided.gather [hbm4b:s9+s12], $0x1180, s13, s12, $0x38;
	[tilespmem:$0x6C00] =	vst v63  }
0x102: {  	_ =	swait.ge [sflag:s20], $0x1180  }
0x103: {  	[sflag:s20] =	ssyncset.done $0x0  }
0x104: {  	s23 =	simm.s32 $0x0;
	[sflag:s20] =	ssyncadd.s32 $0xFFFFEE80  }
0x105: {  	v1 =	vld [tilespmem:s23+$0x6100]  }
0x106: {  	v2 =	vld [tilespmem:s23+$0x5700]  }
0x107: {  	v3 =	vld [tilespmem:s23+$0x5E80]  }
0x108: {  	v4 =	vld [tilespmem:s23+$0x6080]  }
0x109: {  	v5 =	vld [tilespmem:s23+$0x5680]  }
0x10a: {  	v6 =	vld [tilespmem:s23+$0x5E00]  }
0x10b: {  	v7 =	vld [tilespmem:s23+$0x6000]  }
0x10c: {  	v8 =	vld [tilespmem:s23+$0x5600]  }
0x10d: {  	v9 =	vld [tilespmem:s23+$0x5D80]  }
0x10e: {  	v10 =	vld [tilespmem:s23+$0x5F00]  }
0x10f: {  	v11 =	vld [tilespmem:s23+$0x5F80]  }
0x110: {  	v12 =	vld [tilespmem:s23+$0x5580]  }
0x111: {  	v13 =	vld [tilespmem:s23+$0x5D00]  }
0x112: {  	v14 =	vld [tilespmem:s23+$0x5500]  }
0x113: {  	v15 =	vld [tilespmem:s23+$0x5C80]  }
0x114: {  	v16 =	vld [tilespmem:s23+$0x5480]  }
0x115: {  	v17 =	vld [tilespmem:s23+$0x5C00]  }
0x116: {  	v18 =	vld [tilespmem:s23+$0x5400]  }
0x117: {  	v19 =	vld [tilespmem:s23+$0x5B80]  }
0x118: {  	v20 =	vld [tilespmem:s23+$0x5380]  }
0x119: {  	v21 =	vld [tilespmem:s23+$0x5B00]  }
0x11a: {  	v22 =	vld [tilespmem:s23+$0x5300]  }
0x11b: {  	v23 =	vld [tilespmem:s23+$0x5A80];
	v1 =	vtrunc.f32 v1;
	v2 =	vtrunc.f32 v2  }
0x11c: {  	v24 =	vld [tilespmem:s23+$0x5280];
	v3 =	vtrunc.f32 v3;
	v4 =	vtrunc.f32 v4  }
0x11d: {  	v25 =	vld [tilespmem:s23+$0x5A00];
	v5 =	vtrunc.f32 v5;
	v6 =	vtrunc.f32 v6  }
0x11e: {  	v26 =	vld [tilespmem:s23+$0x5200];
	v8 =	vtrunc.f32 v8;
	v7 =	vtrunc.f32 v7  }
0x11f: {  	v27 =	vld [tilespmem:s23+$0x5980];
	v9 =	vtrunc.f32 v9;
	v10 =	vtrunc.f32 v10  }
0x120: {  	v28 =	vld [tilespmem:s23+$0x5180];
	v12 =	vtrunc.f32 v12;
	v11 =	vtrunc.f32 v11  }
0x121: {  	v29 =	vld [tilespmem:s23+$0x5900];
	v14 =	vtrunc.f32 v14;
	v13 =	vtrunc.f32 v13  }
0x122: {  	v30 =	vld [tilespmem:s23+$0x5100];
	v16 =	vtrunc.f32 v16;
	v15 =	vtrunc.f32 v15  }
0x123: {  	v31 =	vld [tilespmem:s23+$0x5880];
	v18 =	vtrunc.f32 v18;
	v17 =	vtrunc.f32 v17  }
0x124: {  	v32 =	vld [tilespmem:s23+$0x5000];
	v20 =	vtrunc.f32 v20;
	v19 =	vtrunc.f32 v19  }
0x125: {  	v33 =	vld [tilespmem:s23+$0x5080];
	v22 =	vtrunc.f32 v22;
	v21 =	vtrunc.f32 v21  }
0x126: {  	v34 =	vld [tilespmem:s23+$0x5780];
	v24 =	vtrunc.f32 v24;
	v23 =	vtrunc.f32 v23  }
0x127: {  	v35 =	vld [tilespmem:s23+$0x5800];
	v26 =	vtrunc.f32 v26;
	v25 =	vtrunc.f32 v25  }
0x128: {  	v28 =	vtrunc.f32 v28;
	v27 =	vtrunc.f32 v27  }
0x129: {  	v30 =	vtrunc.f32 v30;
	v29 =	vtrunc.f32 v29  }
0x12a: {  	v32 =	vtrunc.f32 v32;
	v31 =	vtrunc.f32 v31  }
0x12b: {  	v33 =	vtrunc.f32 v33;
	v34 =	vtrunc.f32 v34  }
0x12c: {  	v35 =	vtrunc.f32 v35;
	v1 =	vcvt.f32.s32 v1  }
0x12d: {  	v2 =	vcvt.f32.s32 v2;
	v3 =	vcvt.f32.s32 v3  }
0x12e: {  	v5 =	vcvt.f32.s32 v5;
	v4 =	vcvt.f32.s32 v4  }
0x12f: {  	v6 =	vcvt.f32.s32 v6;
	v7 =	vcvt.f32.s32 v7  }
0x130: {  	v8 =	vcvt.f32.s32 v8;
	v9 =	vcvt.f32.s32 v9  }
0x131: {  	v10 =	vcvt.f32.s32 v10;
	v36 =	vcvt.f32.s32 v11  }
0x132: {  	v37 =	vcvt.f32.s32 v12;
	v38 =	vcvt.f32.s32 v13  }
0x133: {  	v39 =	vcvt.f32.s32 v14;
	v40 =	vcvt.f32.s32 v15  }
0x134: {  	v41 =	vcvt.f32.s32 v16;
	v42 =	vcvt.f32.s32 v17  }
0x135: {  	v43 =	vcvt.f32.s32 v18;
	v44 =	vcvt.f32.s32 v19  }
0x136: {  	v45 =	vcvt.f32.s32 v20;
	v21 =	vcvt.f32.s32 v21  }
0x137: {  	v46 =	vcvt.f32.s32 v22;
	v47 =	vcvt.f32.s32 v23  }
0x138: {  	v48 =	vcvt.f32.s32 v24;
	v49 =	vcvt.f32.s32 v25  }
0x139: {  	v50 =	vcvt.f32.s32 v26;
	v27 =	vcvt.f32.s32 v27  }
0x13a: {  	v51 =	vcvt.f32.s32 v28;
	v52 =	vcvt.f32.s32 v29  }
0x13b: {  	v30 =	vcvt.f32.s32 v30;
	v53 =	vcvt.f32.s32 v31  }
0x13c: {  	v54 =	vcvt.f32.s32 v32;
	v55 =	vcvt.f32.s32 v33  }
0x13d: {  	v19 =	vcvt.f32.s32 v34;
	v20 =	vcvt.f32.s32 v35  }
0x13e: {  	v11 =	vshll.u32 v2, $0x2;
	v12 =	vshll.u32 v3, $0x2;
	v24 =	vshll.u32 v1, $0x2  }
0x13f: {  	v13 =	vshll.u32 v5, $0x2;
	v14 =	vshll.u32 v6, $0x2;
	v25 =	vshll.u32 v4, $0x2  }
0x140: {  	v15 =	vshll.u32 v8, $0x2;
	v16 =	vshll.u32 v9, $0x2;
	v26 =	vshll.u32 v7, $0x2  }
0x141: {  	v17 =	vshll.u32 v37, $0x2;
	v22 =	vshll.u32 v10, $0x2;
	v18 =	vshll.u32 v36, $0x2  }
0x142: {  	v9 =	vshll.u32 v39, $0x2;
	v10 =	vshll.u32 v40, $0x2;
	v28 =	vshll.u32 v38, $0x2  }
0x143: {  	v8 =	vshll.u32 v43, $0x2;
	v29 =	vshll.u32 v41, $0x2;
	v1 =	vshll.u32 v42, $0x2  }
0x144: {  	v23 =	vshll.u32 v45, $0x2;
	v3 =	vshll.u32 v21, $0x2;
	v2 =	vshll.u32 v44, $0x2  }
0x145: {  	v21 =	vshll.u32 v48, $0x2;
	v32 =	vshll.u32 v46, $0x2;
	v4 =	vshll.u32 v47, $0x2  }
0x146: {  	v31 =	vshll.u32 v50, $0x2;
	v6 =	vshll.u32 v27, $0x2;
	v5 =	vshll.u32 v49, $0x2  }
0x147: {  	v30 =	vshll.u32 v30, $0x2;
	v35 =	vshll.u32 v51, $0x2;
	v7 =	vshll.u32 v52, $0x2  }
0x148: {  	s24 =	simm.s32 $0x40;
	v33 =	vshll.u32 v54, $0x2;
	v34 =	vshll.u32 v55, $0x2;
	v27 =	vshll.u32 v53, $0x2  }
.LBB2_9:
0x149: {  	p1 =	sne.s32 s24, $0x100;
	v19 =	vshll.u32 v19, $0x2;
	v20 =	vshll.u32 v20, $0x2;
	v24 =	vshll.u32 v0, v24  }
0x14a: {  	v11 =	vshll.u32 v0, v11;
	v12 =	vshll.u32 v0, v12;
	v25 =	vshll.u32 v0, v25  }
0x14b: {  	v13 =	vshll.u32 v0, v13;
	v14 =	vshll.u32 v0, v14;
	v26 =	vshll.u32 v0, v26  }
0x14c: {  	v15 =	vshll.u32 v0, v15;
	v16 =	vshll.u32 v0, v16;
	v22 =	vshll.u32 v0, v22  }
0x14d: {  	v17 =	vshll.u32 v0, v17;
	v28 =	vshll.u32 v0, v28;
	v18 =	vshll.u32 v0, v18  }
0x14e: {  	v29 =	vshll.u32 v0, v29;
	v9 =	vshll.u32 v0, v9;
	v10 =	vshll.u32 v0, v10  }
0x14f: {  	v32 =	vshll.u32 v0, v32;
	v23 =	vshll.u32 v0, v23;
	v8 =	vshll.u32 v0, v8  }
0x150: {  	v35 =	vshll.u32 v0, v35;
	v31 =	vshll.u32 v0, v31;
	v21 =	vshll.u32 v0, v21  }
0x151: {  	v33 =	vshll.u32 v0, v33;
	v34 =	vshll.u32 v0, v34;
	v30 =	vshll.u32 v0, v30  }
0x152: {  	v33 =	vadd.s32 v33, v34;
	v19 =	vshll.u32 v0, v19;
	v20 =	vshll.u32 v0, v20  }
0x153: {  	v30 =	vadd.s32 v30, v33;
	v19 =	vadd.s32 v19, v20;
	v20 =	vshll.u32 v0, v27  }
0x154: {  	v7 =	vshll.u32 v0, v7;
	v27 =	vadd.s32 v35, v30;
	v19 =	vadd.s32 v20, v19  }
0x155: {  	s25 =	sshra.s32 s24, $0x2;
	v6 =	vshll.u32 v0, v6;
	v20 =	vadd.s32 v31, v27;
	v7 =	vadd.s32 v7, v19  }
0x156: {  	v5 =	vshll.u32 v0, v5;
	v20 =	vadd.s32 v21, v20;
	v6 =	vadd.s32 v6, v7;
	v19 =	vld [tilespmem:s25+$0x6100]  }
0x157: {  	v4 =	vshll.u32 v0, v4;
	v20 =	vadd.s32 v32, v20;
	v5 =	vadd.s32 v5, v6;
	v7 =	vld [tilespmem:s25+$0x5700]  }
0x158: {  	v3 =	vshll.u32 v0, v3;
	v20 =	vadd.s32 v23, v20;
	v4 =	vadd.s32 v4, v5;
	v6 =	vld [tilespmem:s25+$0x5E80]  }
0x159: {  	v2 =	vshll.u32 v0, v2;
	v8 =	vadd.s32 v8, v20;
	v3 =	vadd.s32 v3, v4;
	v5 =	vld [tilespmem:s25+$0x6080]  }
0x15a: {  	v1 =	vshll.u32 v0, v1;
	v8 =	vadd.s32 v29, v8;
	v2 =	vadd.s32 v2, v3;
	v4 =	vld [tilespmem:s25+$0x5680]  }
0x15b: {  	v8 =	vadd.s32 v9, v8;
	v1 =	vadd.s32 v1, v2;
	v2 =	vadd.s32 v22, v18;
	v3 =	vld [tilespmem:s25+$0x5E00]  }
0x15c: {  	v8 =	vadd.s32 v17, v8;
	v1 =	vadd.s32 v10, v1;
	v2 =	vadd.s32 v26, v2;
	v9 =	vld [tilespmem:s25+$0x6000]  }
0x15d: {  	v8 =	vadd.s32 v15, v8;
	v1 =	vadd.s32 v28, v1;
	v2 =	vadd.s32 v25, v2;
	v10 =	vld [tilespmem:s25+$0x5600]  }
0x15e: {  	v8 =	vadd.s32 v13, v8;
	v1 =	vadd.s32 v16, v1;
	v2 =	vadd.s32 v24, v2;
	v15 =	vld [tilespmem:s25+$0x5D80]  }
0x15f: {  	v8 =	vadd.s32 v11, v8;
	v1 =	vadd.s32 v14, v1;
	v11 =	vand.u32 $0xF0F0F0F, v2;
	v13 =	vld [tilespmem:s25+$0x5F00]  }
0x160: {  	v2 =	vshrl.u32 v2, $0x4;
	v1 =	vadd.s32 v12, v1;
	v12 =	vand.u32 $0xF0F0F0F, v8;
	v14 =	vld [tilespmem:s25+$0x5F80]  }
0x161: {  	v8 =	vshrl.u32 v8, $0x4;
	v17 =	vand.u32 $0xF0F0F0F, v1;
	v1 =	vshrl.u32 v1, $0x4;
	v16 =	vld [tilespmem:s25+$0x5580]  }
0x162: {  	v8 =	vand.u32 $0xF0F0F0F, v8;
	v12 =	vadd.s32 v12, v17;
	v1 =	vand.u32 $0xF0F0F0F, v1;
	v18 =	vld [tilespmem:s25+$0x5D00]  }
0x163: {  	v2 =	vand.u32 $0xF0F0F0F, v2;
	v11 =	vadd.s32 v11, v12;
	v1 =	vadd.s32 v8, v1;
	v17 =	vld [tilespmem:s25+$0x5500]  }
0x164: {  	v12 =	vtrunc.f32 v19;
	v1 =	vadd.s32 v2, v1;
	v2 =	vshrl.u32 v11, $0xD;
	v8 =	vld [tilespmem:s25+$0x5C80]  }
0x165: {  	v21 =	vshrl.u32 v11, $0x5;
	v20 =	vshll.u32 v1, $0x3;
	v2 =	vand.u32 $0x1F8, v2;
	v19 =	vld [tilespmem:s25+$0x5480]  }
0x166: {  	v21 =	vand.u32 $0x1F8, v21;
	v23 =	vshrl.u32 v1, $0x5;
	v20 =	vand.u32 $0x1F8, v20;
	v22 =	vld [tilespmem:s25+$0x5C00]  }
0x167: {  	v21 =	vor.u32 $0x5, v21;
	v23 =	vand.u32 $0x1F8, v23;
	v20 =	vor.u32 $0x6, v20;
	v24 =	vld [tilespmem:s25+$0x5400]  }
0x168: {  	v20 =	vmax.u32 v20, v21;
	v21 =	vor.u32 $0x4, v23;
	v23 =	vshrl.u32 v1, $0xD;
	v25 =	vld [tilespmem:s25+$0x5B80]  }
0x169: {  	v2 =	vor.u32 $0x3, v2;
	v20 =	vmax.u32 v20, v21;
	v21 =	vand.u32 $0x1F8, v23;
	v26 =	vld [tilespmem:s25+$0x5380]  }
0x16a: {  	v11 =	vshrl.u32 v11, $0x15;
	v2 =	vmax.u32 v20, v2;
	v20 =	vor.u32 $0x2, v21;
	v23 =	vld [tilespmem:s25+$0x5B00]  }
0x16b: {  	v11 =	vor.u32 $0x1, v11;
	v1 =	vshrl.u32 v1, $0x15;
	v2 =	vmax.u32 v2, v20;
	v21 =	vld [tilespmem:s25+$0x5300]  }
0x16c: {  	v7 =	vtrunc.f32 v7;
	v1 =	vand.u32 $0x1F8, v1;
	v2 =	vmax.u32 v2, v11;
	v20 =	vld [tilespmem:s25+$0x5A80]  }
0x16d: {  	v6 =	vtrunc.f32 v6;
	v5 =	vtrunc.f32 v5;
	v1 =	vmax.u32 v2, v1;
	v11 =	vld [tilespmem:s25+$0x5280]  }
0x16e: {  	v3 =	vtrunc.f32 v3;
	v2 =	vtrunc.f32 v4;
	v1 =	vmax.u32 v1, $0x7;
	v4 =	vld [tilespmem:s25+$0x5A00]  }
0x16f: {  	v9 =	vtrunc.f32 v9;
	v10 =	vtrunc.f32 v10;
	v1 =	vandn.u32 $0x7, v1;
	v27 =	vld [tilespmem:s25+$0x5200]  }
0x170: {  	v15 =	vtrunc.f32 v15;
	v13 =	vtrunc.f32 v13;
	v28 =	vld [tilespmem:s25+$0x5980];
	[tilespmem:s23+$0x6400] =	vst v1;
	s23 =	smov.u32 s25  }
0x171: {  	v14 =	vtrunc.f32 v14;
	v16 =	vtrunc.f32 v16;
	v1 =	vld [tilespmem:s23+$0x5180]  }
0x172: {  	v18 =	vtrunc.f32 v18;
	v17 =	vtrunc.f32 v17;
	v29 =	vld [tilespmem:s23+$0x5900]  }
0x173: {  	v8 =	vtrunc.f32 v8;
	v19 =	vtrunc.f32 v19;
	v30 =	vld [tilespmem:s23+$0x5100]  }
0x174: {  	v22 =	vtrunc.f32 v22;
	v24 =	vtrunc.f32 v24;
	v31 =	vld [tilespmem:s23+$0x5880]  }
0x175: {  	v25 =	vtrunc.f32 v25;
	v26 =	vtrunc.f32 v26;
	v32 =	vld [tilespmem:s23+$0x5000]  }
0x176: {  	v23 =	vtrunc.f32 v23;
	v21 =	vtrunc.f32 v21;
	v33 =	vld [tilespmem:s23+$0x5080]  }
0x177: {  	v20 =	vtrunc.f32 v20;
	v11 =	vtrunc.f32 v11;
	v34 =	vld [tilespmem:s23+$0x5780]  }
0x178: {  	v4 =	vtrunc.f32 v4;
	v27 =	vtrunc.f32 v27;
	v35 =	vld [tilespmem:s23+$0x5800]  }
0x179: {  	v28 =	vtrunc.f32 v28;
	v1 =	vtrunc.f32 v1  }
0x17a: {  	v29 =	vtrunc.f32 v29;
	v30 =	vtrunc.f32 v30  }
0x17b: {  	v31 =	vtrunc.f32 v31;
	v32 =	vtrunc.f32 v32  }
0x17c: {  	v33 =	vtrunc.f32 v33;
	v34 =	vtrunc.f32 v34  }
0x17d: {  	v36 =	vcvt.f32.s32 v12;
	v35 =	vtrunc.f32 v35  }
0x17e: {  	v7 =	vcvt.f32.s32 v7;
	v6 =	vcvt.f32.s32 v6  }
0x17f: {  	v5 =	vcvt.f32.s32 v5;
	v2 =	vcvt.f32.s32 v2  }
0x180: {  	v3 =	vcvt.f32.s32 v3;
	v9 =	vcvt.f32.s32 v9  }
0x181: {  	v10 =	vcvt.f32.s32 v10;
	v37 =	vcvt.f32.s32 v15  }
0x182: {  	v38 =	vcvt.f32.s32 v13;
	v39 =	vcvt.f32.s32 v14  }
0x183: {  	v40 =	vcvt.f32.s32 v16;
	v41 =	vcvt.f32.s32 v18  }
0x184: {  	v42 =	vcvt.f32.s32 v17;
	v8 =	vcvt.f32.s32 v8  }
0x185: {  	v43 =	vcvt.f32.s32 v19;
	v44 =	vcvt.f32.s32 v22  }
0x186: {  	v45 =	vcvt.f32.s32 v24;
	v46 =	vcvt.f32.s32 v25  }
0x187: {  	v47 =	vcvt.f32.s32 v26;
	v48 =	vcvt.f32.s32 v23  }
0x188: {  	v49 =	vcvt.f32.s32 v21;
	v50 =	vcvt.f32.s32 v20  }
0x189: {  	v21 =	vcvt.f32.s32 v11;
	v51 =	vcvt.f32.s32 v4  }
0x18a: {  	v27 =	vcvt.f32.s32 v27;
	v52 =	vcvt.f32.s32 v28  }
0x18b: {  	v53 =	vcvt.f32.s32 v1;
	v54 =	vcvt.f32.s32 v29  }
0x18c: {  	v30 =	vcvt.f32.s32 v30;
	v55 =	vcvt.f32.s32 v31  }
0x18d: {  	v56 =	vcvt.f32.s32 v32;
	v57 =	vcvt.f32.s32 v33  }
0x18e: {  	v19 =	vcvt.f32.s32 v34;
	v20 =	vcvt.f32.s32 v35  }
0x18f: {  	v12 =	vshll.u32 v6, $0x2;
	v24 =	vshll.u32 v36, $0x2;
	v11 =	vshll.u32 v7, $0x2  }
0x190: {  	v14 =	vshll.u32 v3, $0x2;
	v13 =	vshll.u32 v2, $0x2;
	v25 =	vshll.u32 v5, $0x2  }
0x191: {  	v15 =	vshll.u32 v10, $0x2;
	v16 =	vshll.u32 v37, $0x2;
	v26 =	vshll.u32 v9, $0x2  }
0x192: {  	v18 =	vshll.u32 v39, $0x2;
	v17 =	vshll.u32 v40, $0x2;
	v22 =	vshll.u32 v38, $0x2  }
0x193: {  	v10 =	vshll.u32 v8, $0x2;
	v9 =	vshll.u32 v42, $0x2;
	v28 =	vshll.u32 v41, $0x2  }
0x194: {  	v8 =	vshll.u32 v45, $0x2;
	v1 =	vshll.u32 v44, $0x2;
	v29 =	vshll.u32 v43, $0x2  }
.Ltmp8:
0x195: {  	v2 =	vshll.u32 v46, $0x2;
	v23 =	vshll.u32 v47, $0x2;
	v3 =	vshll.u32 v48, $0x2;
	(pc) =	sbr.rel @p1 .LBB2_9-.Ltmp8, $4  }
0x196: {  	v4 =	vshll.u32 v50, $0x2;
	v21 =	vshll.u32 v21, $0x2;
	v32 =	vshll.u32 v49, $0x2  }
0x197: {  	v5 =	vshll.u32 v51, $0x2;
	v6 =	vshll.u32 v52, $0x2;
	v31 =	vshll.u32 v27, $0x2  }
0x198: {  	v7 =	vshll.u32 v54, $0x2;
	v30 =	vshll.u32 v30, $0x2;
	v35 =	vshll.u32 v53, $0x2  }
0x199: {  	s24 =	sadd.s32 $0x40, s24;
	v27 =	vshll.u32 v55, $0x2;
	v33 =	vshll.u32 v56, $0x2;
	v34 =	vshll.u32 v57, $0x2  }
0x19a: {  	v19 =	vshll.u32 v19, $0x2;
	v20 =	vshll.u32 v20, $0x2;
	v24 =	vshll.u32 v0, v24  }
0x19b: {  	v11 =	vshll.u32 v0, v11;
	v12 =	vshll.u32 v0, v12;
	v25 =	vshll.u32 v0, v25  }
0x19c: {  	v13 =	vshll.u32 v0, v13;
	v14 =	vshll.u32 v0, v14;
	v26 =	vshll.u32 v0, v26  }
0x19d: {  	v15 =	vshll.u32 v0, v15;
	v16 =	vshll.u32 v0, v16;
	v22 =	vshll.u32 v0, v22  }
0x19e: {  	v17 =	vshll.u32 v0, v17;
	v28 =	vshll.u32 v0, v28;
	v18 =	vshll.u32 v0, v18  }
0x19f: {  	v29 =	vshll.u32 v0, v29;
	v9 =	vshll.u32 v0, v9;
	v10 =	vshll.u32 v0, v10  }
0x1a0: {  	v32 =	vshll.u32 v0, v32;
	v23 =	vshll.u32 v0, v23;
	v8 =	vshll.u32 v0, v8  }
0x1a1: {  	v35 =	vshll.u32 v0, v35;
	v31 =	vshll.u32 v0, v31;
	v21 =	vshll.u32 v0, v21  }
0x1a2: {  	v33 =	vshll.u32 v0, v33;
	v34 =	vshll.u32 v0, v34;
	v30 =	vshll.u32 v0, v30  }
0x1a3: {  	v33 =	vadd.s32 v33, v34;
	v19 =	vshll.u32 v0, v19;
	v20 =	vshll.u32 v0, v20  }
0x1a4: {  	v49 =	vshll.u32 v0, v27;
	v30 =	vadd.s32 v30, v33;
	v19 =	vadd.s32 v19, v20  }
0x1a5: {  	v7 =	vshll.u32 v0, v7;
	v50 =	vadd.s32 v35, v30;
	v19 =	vadd.s32 v49, v19  }
0x1a6: {  	v6 =	vshll.u32 v0, v6;
	v51 =	vadd.s32 v31, v50;
	v7 =	vadd.s32 v7, v19  }
0x1a7: {  	v5 =	vshll.u32 v0, v5;
	v52 =	vadd.s32 v21, v51;
	v6 =	vadd.s32 v6, v7  }
0x1a8: {  	v4 =	vshll.u32 v0, v4;
	v53 =	vadd.s32 v32, v52;
	v5 =	vadd.s32 v5, v6  }
0x1a9: {  	v3 =	vshll.u32 v0, v3;
	v54 =	vadd.s32 v23, v53;
	v4 =	vadd.s32 v4, v5  }
0x1aa: {  	v2 =	vshll.u32 v0, v2;
	v55 =	vadd.s32 v8, v54;
	v3 =	vadd.s32 v3, v4  }
0x1ab: {  	v1 =	vshll.u32 v0, v1;
	v56 =	vadd.s32 v29, v55;
	v2 =	vadd.s32 v2, v3  }
0x1ac: {  	v3 =	vadd.s32 v9, v56;
	v1 =	vadd.s32 v1, v2;
	v2 =	vadd.s32 v22, v18  }
0x1ad: {  	v3 =	vadd.s32 v17, v3;
	v1 =	vadd.s32 v10, v1;
	v2 =	vadd.s32 v26, v2  }
0x1ae: {  	v3 =	vadd.s32 v15, v3;
	v1 =	vadd.s32 v28, v1;
	v2 =	vadd.s32 v25, v2  }
0x1af: {  	v3 =	vadd.s32 v13, v3;
	v1 =	vadd.s32 v16, v1;
	v2 =	vadd.s32 v24, v2  }
0x1b0: {  	v3 =	vadd.s32 v11, v3;
	v1 =	vadd.s32 v14, v1;
	v57 =	vand.u32 $0xF0F0F0F, v2  }
0x1b1: {  	v2 =	vshrl.u32 v2, $0x4;
	v1 =	vadd.s32 v12, v1;
	v58 =	vand.u32 $0xF0F0F0F, v3  }
0x1b2: {  	v3 =	vshrl.u32 v3, $0x4;
	v59 =	vand.u32 $0xF0F0F0F, v1;
	v1 =	vshrl.u32 v1, $0x4  }
0x1b3: {  	v3 =	vand.u32 $0xF0F0F0F, v3;
	v5 =	vadd.s32 v58, v59;
	v1 =	vand.u32 $0xF0F0F0F, v1  }
0x1b4: {  	v2 =	vand.u32 $0xF0F0F0F, v2;
	v4 =	vadd.s32 v57, v5;
	v1 =	vadd.s32 v3, v1  }
0x1b5: {  	v1 =	vadd.s32 v2, v1;
	v2 =	vshrl.u32 v4, $0xD  }
0x1b6: {  	v5 =	vshrl.u32 v4, $0x5;
	v3 =	vshll.u32 v1, $0x3;
	v2 =	vand.u32 $0x1F8, v2  }
0x1b7: {  	v5 =	vand.u32 $0x1F8, v5;
	v60 =	vshrl.u32 v1, $0x5;
	v3 =	vand.u32 $0x1F8, v3  }
0x1b8: {  	v5 =	vor.u32 $0x5, v5;
	v6 =	vand.u32 $0x1F8, v60;
	v3 =	vor.u32 $0x6, v3  }
0x1b9: {  	v62 =	vshrl.u32 v1, $0xD;
	v61 =	vor.u32 $0x4, v6;
	v3 =	vmax.u32 v3, v5  }
0x1ba: {  	v2 =	vor.u32 $0x3, v2;
	v63 =	vand.u32 $0x1F8, v62;
	v3 =	vmax.u32 v3, v61  }
0x1bb: {  	v4 =	vshrl.u32 v4, $0x15;
	v2 =	vmax.u32 v3, v2;
	v3 =	vor.u32 $0x2, v63  }
0x1bc: {  	v1 =	vshrl.u32 v1, $0x15;
	v2 =	vmax.u32 v2, v3;
	v3 =	vor.u32 $0x1, v4  }
0x1bd: {  	v1 =	vand.u32 $0x1F8, v1;
	v2 =	vmax.u32 v2, v3  }
0x1be: {  	v1 =	vmax.u32 v2, v1  }
0x1bf: {  	v1 =	vmax.u32 v1, $0x7  }
0x1c0: {  	v1 =	vandn.u32 $0x7, v1  }
.Ltmp9:
0x1c1: {  	[tilespmem:s23+$0x6400] =	vst v1;
	(pc) =	sbr.rel .LBB2_11-.Ltmp9, $4  }
0x1c2: {  	[hbm4b:s10+s2] =	stream.linear.scatter [tilespmem:s21], [sflag:$0x7], $0x50, $0x38;
	[tilespmem:$0x6C00] =	vst v63  }
0x1c3: {  	_ =	swait.ge [sflag:s20], $0x50  }
0x1c4: {  	[sflag:s20] =	ssyncset.done $0x0  }
0x1c5: {  	[sflag:s20] =	ssyncadd.s32 $0xFFFFFFB0  }
.LBB2_12:
0x1c6: {  	_ =	sfence.sel $0x180000  }
0x1c7: {  	[bflag:$0x0] =	sbarrier.arrive $0xFFFF  }
0x1c8: {  	p0 =	sne.s32 s1, $0x0;
	_ =	strace $0x90000047  }
0x1c9: {  	s0 =	sadd.s32 @!p0 $0x100000, s0;
	[bflag:$0x2] =	sbarrier.arrive $0xFFFF  }
0x1ca: {  	[sflag:s0] =	ssyncadd.tile.s32 @!p0 $0x1;
	_ =	shalt  }
.Lfunc_end2:
_tile_overlayer_lowered:
.L_overlay_start_2:
0x1cb: {  	(tag) =	ssettag $0x2  }
0x1cc: {  	s0 =	rddreg [dreg:$0x0];
	s2 =	stileid.u32  }
0x1cd: {  	s1 =	rddreg [dreg:$0x1];
	p0 =	sne.s32 s2, $0x0  }
0x1ce: {  	s3 =	rddreg [dreg:$0x2];
	[bflag:$0x3] =	sbarrier.arrive $0xFFFF;
	s2 =	simm.s32 @!p0 $0x1C07  }
0x1cf: {  	[timem:s3], [sflag:s2] =	dma.local @!p0 [hbm:s0], s1  }
0x1d0: {  	s0 =	simm.s32 @!p0 $0x7  }
0x1d1: {  	_ =	swait.ge @!p0 [sflag:s0], s1  }
0x1d2: {  	s1 =	ssub.s32 @!p0 $0x0, s1;
	[sflag:s0] =	ssyncset.done @!p0 $0x0  }
0x1d3: {  	[sflag:s0] =	ssyncadd.s32 @!p0 s1  }
0x1d4: {  	[bflag:$0x3] =	sbarrier.arrive $0xFFFF  }
0x1d5: {  	_ =	shalt  }

</sc_bundles>
